<compile_context>
chip_gen: v7x
topology: tpu7x:2x2x1
jax: 0.10.2.dev20260603
libtpu: 0.0.44.dev20260713+nightly
codegen_flags: <defaults>
</compile_context>

<pallas_src>
import functools

import jax
import jax.numpy as jnp
from jax import lax
from jax.experimental import pallas as pl
from jax.experimental.pallas import tpu as pltpu
from jax.experimental.pallas import tpu_sc as plsc


@functools.cache
def _make_gather(V, D, B):
    info = plsc.get_sparse_core_info()
    NC, NS = info.num_cores, info.num_subcores
    NW = NC * NS
    assert B % NW == 0
    b_per_w = B // NW
    mesh = plsc.VectorSubcoreMesh(core_axis_name="c", subcore_axis_name="s")

    @functools.partial(
        pl.kernel,
        mesh=mesh,
        out_type=jax.ShapeDtypeStruct((B, D), jnp.float32),
        compiler_params=pltpu.CompilerParams(needs_layout_passes=False),
        scratch_types=[
            pltpu.VMEM((b_per_w,), jnp.int32),
            pltpu.VMEM((b_per_w // 2, D), jnp.float32),
            pltpu.VMEM_SHARED((NS, b_per_w // 2, D), jnp.float32),
            pltpu.SemaphoreType.DMA,
            pltpu.SemaphoreType.DMA,
        ],
    )
    def k(idx_hbm, table_hbm, out_hbm, idx_v, rows, shared, semA, semB):
        wid = lax.axis_index("s") * NC + lax.axis_index("c")
        sid = lax.axis_index("s")
        base = wid * b_per_w
        half = b_per_w // 2
        pltpu.sync_copy(idx_hbm.at[pl.ds(base, b_per_w)], idx_v)
        mine = shared.at[sid]

        def fire_body(i, carry):
            v = idx_v[pl.ds(i * 16, 16)]
            vh = idx_v[pl.ds(half + i * 16, 16)]
            for t in range(16):
                pltpu.async_copy(
                    table_hbm.at[pl.ds(v[t], 1)],
                    rows.at[pl.ds(i * 16 + t, 1)],
                    semA,
                )
                pltpu.async_copy(
                    table_hbm.at[pl.ds(vh[t], 1)],
                    mine.at[pl.ds(i * 16 + t, 1)],
                    semB,
                )
            return carry

        lax.fori_loop(0, half // 16, fire_body, 0)
        pltpu.make_async_copy(
            table_hbm.at[pl.ds(0, half)], rows, semA
        ).wait()
        pltpu.make_async_copy(
            table_hbm.at[pl.ds(0, half)], mine, semB
        ).wait()
        pltpu.sync_copy(rows, out_hbm.at[pl.ds(base, half)])
        pltpu.sync_copy(mine, out_hbm.at[pl.ds(base + half, half)])

    return k


def kernel(condition, embedding_table):
    idx = condition.astype(jnp.int32)
    V, D = embedding_table.shape
    (B,) = idx.shape
    return _make_gather(V, D, B)(idx, embedding_table)

# --- scband reference (transcript-rebuilt; emitter-appended) ---
"""Pipeline reference for scband-label-embedder-33741263077683 (READ-ONLY COPY).

The authoritative reference and input builder live on the scoring server;
editing this copy changes nothing except your own understanding.
"""

import jax, jax.numpy as jnp
import numpy as np

NUM_CLASSES = 1000000
EMB_DIM = 32
BATCH = 16384

def setup_inputs(seed: int = 0) -> dict:
    key = jax.random.key(seed)
    k_idx, k_tab = jax.random.split(key)
    condition = jax.random.randint(k_idx, (BATCH,), 0, NUM_CLASSES, dtype=jnp.int64 if jax.config.jax_enable_x64 else jnp.int32)
    embedding_table = jax.random.normal(k_tab, (NUM_CLASSES, EMB_DIM), dtype=jnp.float32)
    return {"condition": condition, "embedding_table": embedding_table}

def reference(condition, embedding_table):
    # nn.Embedding forward: gather rows of the table by index
    c = jnp.take(embedding_table, condition, axis=0)
    return c

if __name__ == "__main__":
    import jax
    _d = setup_inputs()
    print(jax.jit(kernel)(*tuple(_d.values())))

</pallas_src>

<mosaic_0001>
#map = affine_map<(d0, d1) -> (0)>
#map1 = affine_map<(d0, d1) -> (0, 0)>
module attributes {stable_mosaic.version = 14 : i64} {
  func.func @k(%arg0: i32, %arg1: i32, %arg2: memref<16384xi32, #tpu.memory_space<hbm>>, %arg3: memref<1000000x32xf32, #tpu.memory_space<hbm>>, %arg4: memref<16384x32xf32, #tpu.memory_space<hbm>>, %arg5: memref<512xi32, #tpu.memory_space<vmem>>, %arg6: memref<256x32xf32, #tpu.memory_space<vmem>>, %arg7: memref<16x256x32xf32, #tpu.memory_space<vmem_shared>>, %arg8: memref<!tpu.dma_semaphore, #tpu.memory_space<semaphore_mem>>, %arg9: memref<!tpu.dma_semaphore, #tpu.memory_space<semaphore_mem>>) attributes {dimension_semantics = [#tpu.dimension_semantics<core_parallel>, #tpu.dimension_semantics<subcore_parallel>], iteration_bounds = array<i64: 2, 16>, scalar_prefetch = 0 : i64, scratch_operands = 5 : i64, tpu.core_type = #tpu.core_type<sc_vector_subcore>, window_params = [{transform_indices = #map}, {transform_indices = #map1}, {transform_indices = #map1}]} {
    %mul3A = arith.constant 2 : i32
    %mul3A_0 = arith.muli %arg1, %mul3A : i32
    %add3A = arith.addi %mul3A_0, %arg0 : i32
    %mul3A_1 = arith.constant 512 : i32
    %mul3A_2 = arith.muli %add3A, %mul3A_1 : i32
    "tpu.region"() ({
      %run_scoped3A = tpu.sem_alloc : memref<!tpu.dma_semaphore, #tpu.memory_space<semaphore_mem>>
      %dma_start3A = tpu.memref_slice %arg2[%mul3A_2] : memref<16384xi32, #tpu.memory_space<hbm>> -> memref<512xi32, #tpu.memory_space<hbm>>
      %dma_start3A_22 = tpu.memref_slice %arg2[%mul3A_2] : memref<16384xi32, #tpu.memory_space<hbm>> -> memref<512xi32, #tpu.memory_space<hbm>>
      tpu.enqueue_dma source(%dma_start3A_22 : memref<512xi32, #tpu.memory_space<hbm>>) target(%arg5 : memref<512xi32, #tpu.memory_space<vmem>>) target_semaphore(%run_scoped3A : memref<!tpu.dma_semaphore, #tpu.memory_space<semaphore_mem>>)
      %dma_wait3A_23 = tpu.memref_slice %arg2[%mul3A_2] : memref<16384xi32, #tpu.memory_space<hbm>> -> memref<512xi32, #tpu.memory_space<hbm>>
      %dma_wait3A_24 = tpu.memref_slice %arg2[%mul3A_2] : memref<16384xi32, #tpu.memory_space<hbm>> -> memref<512xi32, #tpu.memory_space<hbm>>
      tpu.wait_dma2 semaphore(%run_scoped3A : memref<!tpu.dma_semaphore, #tpu.memory_space<semaphore_mem>>) src(%dma_wait3A_24 : memref<512xi32, #tpu.memory_space<hbm>>) dst(%arg5 : memref<512xi32, #tpu.memory_space<vmem>>)
      tpu.yield
    }) : () -> ()
    %scan3A = arith.constant 0 : i32
    %scan3A_3 = arith.constant 0 : i32
    %scan3A_4 = arith.constant 16 : i32
    %scan3A_5 = arith.addi %scan3A_3, %scan3A_4 : i32
    %scan3A_6 = arith.constant 1 : i32
    scf.for %scan3A_22 = %scan3A_3 to %scan3A_5 step %scan3A_6  : i32 {
      %mul3A_23 = arith.constant 16 : i32
      %mul3A_24 = arith.muli %scan3A_22, %mul3A_23 : i32
      %get3A = arith.index_cast %mul3A_24 : i32 to index
      %get3A_25 = tpu.vector_load %arg5[%get3A] {strides = array<i32>} : memref<512xi32, #tpu.memory_space<vmem>>, vector<16xi32>,
      %mul3A_26 = arith.constant 16 : i32
      %mul3A_27 = arith.muli %scan3A_22, %mul3A_26 : i32
      %add3A_28 = arith.constant 256 : i32
      %add3A_29 = arith.addi %add3A_28, %mul3A_27 : i32
      %get3A_30 = arith.index_cast %add3A_29 : i32 to index
      %get3A_31 = tpu.vector_load %arg5[%get3A_30] {strides = array<i32>} : memref<512xi32, #tpu.memory_space<vmem>>, vector<16xi32>,
      %slice3A = vector.extract_strided_slice %get3A_25 {offsets = [0], sizes = [1], strides = [1]} : vector<16xi32> to vector<1xi32>
      %squeeze3A = vector.extract %slice3A[0] : i32 from vector<1xi32>
      %mul3A_32 = arith.constant 16 : i32
      %mul3A_33 = arith.muli %scan3A_22, %mul3A_32 : i32
      %add3A_34 = arith.constant 0 : i32
      %add3A_35 = arith.addi %mul3A_33, %add3A_34 : i32
      %dma_start3A = arith.constant 0 : i32
      %dma_start3A_36 = tpu.memref_slice %arg6[%add3A_35, %dma_start3A] : memref<256x32xf32, #tpu.memory_space<vmem>> -> memref<1x32xf32, #tpu.memory_space<vmem>>
      %dma_start3A_37 = arith.constant 0 : i32
      %dma_start3A_38 = tpu.memref_slice %arg3[%squeeze3A, %dma_start3A_37] : memref<1000000x32xf32, #tpu.memory_space<hbm>> -> memref<1x32xf32, #tpu.memory_space<hbm>>
      %dma_start3A_39 = arith.constant 0 : i32
      %dma_start3A_40 = tpu.memref_slice %arg6[%add3A_35, %dma_start3A_39] : memref<256x32xf32, #tpu.memory_space<vmem>> -> memref<1x32xf32, #tpu.memory_space<vmem>>
      %dma_start3A_41 = arith.constant 0 : i32
      %dma_start3A_42 = tpu.memref_slice %arg3[%squeeze3A, %dma_start3A_41] : memref<1000000x32xf32, #tpu.memory_space<hbm>> -> memref<1x32xf32, #tpu.memory_space<hbm>>
      tpu.enqueue_dma source(%dma_start3A_42 : memref<1x32xf32, #tpu.memory_space<hbm>>) target(%dma_start3A_40 : memref<1x32xf32, #tpu.memory_space<vmem>>) target_semaphore(%arg8 : memref<!tpu.dma_semaphore, #tpu.memory_space<semaphore_mem>>)
      %slice3A_43 = vector.extract_strided_slice %get3A_31 {offsets = [0], sizes = [1], strides = [1]} : vector<16xi32> to vector<1xi32>
      %squeeze3A_44 = vector.extract %slice3A_43[0] : i32 from vector<1xi32>
      %mul3A_45 = arith.constant 16 : i32
      %mul3A_46 = arith.muli %scan3A_22, %mul3A_45 : i32
      %add3A_47 = arith.constant 0 : i32
      %add3A_48 = arith.addi %mul3A_46, %add3A_47 : i32
      %dma_start3A_49 = arith.constant 0 : i32
      %dma_start3A_50 = arith.constant 0 : i32
      %dma_start3A_51 = tpu.memref_slice %arg7[%arg1, %dma_start3A_49, %dma_start3A_50] : memref<16x256x32xf32, #tpu.memory_space<vmem_shared>> -> memref<1x256x32xf32, #tpu.memory_space<vmem_shared>>
      %dma_start3A_52 = tpu.memref_squeeze %dma_start3A_51 : memref<1x256x32xf32, #tpu.memory_space<vmem_shared>> -> memref<256x32xf32, #tpu.memory_space<vmem_shared>>
      %dma_start3A_53 = arith.constant 0 : i32
      %dma_start3A_54 = tpu.memref_slice %dma_start3A_52[%add3A_48, %dma_start3A_53] : memref<256x32xf32, #tpu.memory_space<vmem_shared>> -> memref<1x32xf32, #tpu.memory_space<vmem_shared>>
      %dma_start3A_55 = arith.constant 0 : i32
      %dma_start3A_56 = tpu.memref_slice %arg3[%squeeze3A_44, %dma_start3A_55] : memref<1000000x32xf32, #tpu.memory_space<hbm>> -> memref<1x32xf32, #tpu.memory_space<hbm>>
      tpu.enqueue_dma source(%dma_start3A_56 : memref<1x32xf32, #tpu.memory_space<hbm>>) target(%dma_start3A_54 : memref<1x32xf32, #tpu.memory_space<vmem_shared>>) target_semaphore(%arg9 : memref<!tpu.dma_semaphore, #tpu.memory_space<semaphore_mem>>)
      %slice3A_57 = vector.extract_strided_slice %get3A_25 {offsets = [1], sizes = [1], strides = [1]} : vector<16xi32> to vector<1xi32>
      %squeeze3A_58 = vector.extract %slice3A_57[0] : i32 from vector<1xi32>
      %mul3A_59 = arith.constant 16 : i32
      %mul3A_60 = arith.muli %scan3A_22, %mul3A_59 : i32
      %add3A_61 = arith.constant 1 : i32
      %add3A_62 = arith.addi %mul3A_60, %add3A_61 : i32
      %dma_start3A_63 = arith.constant 0 : i32
      %dma_start3A_64 = tpu.memref_slice %arg6[%add3A_62, %dma_start3A_63] : memref<256x32xf32, #tpu.memory_space<vmem>> -> memref<1x32xf32, #tpu.memory_space<vmem>>
      %dma_start3A_65 = arith.constant 0 : i32
      %dma_start3A_66 = tpu.memref_slice %arg3[%squeeze3A_58, %dma_start3A_65] : memref<1000000x32xf32, #tpu.memory_space<hbm>> -> memref<1x32xf32, #tpu.memory_space<hbm>>
      %dma_start3A_67 = arith.constant 0 : i32
      %dma_start3A_68 = tpu.memref_slice %arg6[%add3A_62, %dma_start3A_67] : memref<256x32xf32, #tpu.memory_space<vmem>> -> memref<1x32xf32, #tpu.memory_space<vmem>>
      %dma_start3A_69 = arith.constant 0 : i32
      %dma_start3A_70 = tpu.memref_slice %arg3[%squeeze3A_58, %dma_start3A_69] : memref<1000000x32xf32, #tpu.memory_space<hbm>> -> memref<1x32xf32, #tpu.memory_space<hbm>>
      tpu.enqueue_dma source(%dma_start3A_70 : memref<1x32xf32, #tpu.memory_space<hbm>>) target(%dma_start3A_68 : memref<1x32xf32, #tpu.memory_space<vmem>>) target_semaphore(%arg8 : memref<!tpu.dma_semaphore, #tpu.memory_space<semaphore_mem>>)
      %slice3A_71 = vector.extract_strided_slice %get3A_31 {offsets = [1], sizes = [1], strides = [1]} : vector<16xi32> to vector<1xi32>
      %squeeze3A_72 = vector.extract %slice3A_71[0] : i32 from vector<1xi32>
      %mul3A_73 = arith.constant 16 : i32
      %mul3A_74 = arith.muli %scan3A_22, %mul3A_73 : i32
      %add3A_75 = arith.constant 1 : i32
      %add3A_76 = arith.addi %mul3A_74, %add3A_75 : i32
      %dma_start3A_77 = arith.constant 0 : i32
      %dma_start3A_78 = arith.constant 0 : i32
      %dma_start3A_79 = tpu.memref_slice %arg7[%arg1, %dma_start3A_77, %dma_start3A_78] : memref<16x256x32xf32, #tpu.memory_space<vmem_shared>> -> memref<1x256x32xf32, #tpu.memory_space<vmem_shared>>
      %dma_start3A_80 = tpu.memref_squeeze %dma_start3A_79 : memref<1x256x32xf32, #tpu.memory_space<vmem_shared>> -> memref<256x32xf32, #tpu.memory_space<vmem_shared>>
      %dma_start3A_81 = arith.constant 0 : i32
      %dma_start3A_82 = tpu.memref_slice %dma_start3A_80[%add3A_76, %dma_start3A_81] : memref<256x32xf32, #tpu.memory_space<vmem_shared>> -> memref<1x32xf32, #tpu.memory_space<vmem_shared>>
      %dma_start3A_83 = arith.constant 0 : i32
      %dma_start3A_84 = tpu.memref_slice %arg3[%squeeze3A_72, %dma_start3A_83] : memref<1000000x32xf32, #tpu.memory_space<hbm>> -> memref<1x32xf32, #tpu.memory_space<hbm>>
      tpu.enqueue_dma source(%dma_start3A_84 : memref<1x32xf32, #tpu.memory_space<hbm>>) target(%dma_start3A_82 : memref<1x32xf32, #tpu.memory_space<vmem_shared>>) target_semaphore(%arg9 : memref<!tpu.dma_semaphore, #tpu.memory_space<semaphore_mem>>)
      %slice3A_85 = vector.extract_strided_slice %get3A_25 {offsets = [2], sizes = [1], strides = [1]} : vector<16xi32> to vector<1xi32>
      %squeeze3A_86 = vector.extract %slice3A_85[0] : i32 from vector<1xi32>
      %mul3A_87 = arith.constant 16 : i32
      %mul3A_88 = arith.muli %scan3A_22, %mul3A_87 : i32
      %add3A_89 = arith.constant 2 : i32
      %add3A_90 = arith.addi %mul3A_88, %add3A_89 : i32
      %dma_start3A_91 = arith.constant 0 : i32
      %dma_start3A_92 = tpu.memref_slice %arg6[%add3A_90, %dma_start3A_91] : memref<256x32xf32, #tpu.memory_space<vmem>> -> memref<1x32xf32, #tpu.memory_space<vmem>>
      %dma_start3A_93 = arith.constant 0 : i32
      %dma_start3A_94 = tpu.memref_slice %arg3[%squeeze3A_86, %dma_start3A_93] : memref<1000000x32xf32, #tpu.memory_space<hbm>> -> memref<1x32xf32, #tpu.memory_space<hbm>>
      %dma_start3A_95 = arith.constant 0 : i32
      %dma_start3A_96 = tpu.memref_slice %arg6[%add3A_90, %dma_start3A_95] : memref<256x32xf32, #tpu.memory_space<vmem>> -> memref<1x32xf32, #tpu.memory_space<vmem>>
      %dma_start3A_97 = arith.constant 0 : i32
      %dma_start3A_98 = tpu.memref_slice %arg3[%squeeze3A_86, %dma_start3A_97] : memref<1000000x32xf32, #tpu.memory_space<hbm>> -> memref<1x32xf32, #tpu.memory_space<hbm>>
      tpu.enqueue_dma source(%dma_start3A_98 : memref<1x32xf32, #tpu.memory_space<hbm>>) target(%dma_start3A_96 : memref<1x32xf32, #tpu.memory_space<vmem>>) target_semaphore(%arg8 : memref<!tpu.dma_semaphore, #tpu.memory_space<semaphore_mem>>)
      %slice3A_99 = vector.extract_strided_slice %get3A_31 {offsets = [2], sizes = [1], strides = [1]} : vector<16xi32> to vector<1xi32>
      %squeeze3A_100 = vector.extract %slice3A_99[0] : i32 from vector<1xi32>
      %mul3A_101 = arith.constant 16 : i32
      %mul3A_102 = arith.muli %scan3A_22, %mul3A_101 : i32
      %add3A_103 = arith.constant 2 : i32
      %add3A_104 = arith.addi %mul3A_102, %add3A_103 : i32
      %dma_start3A_105 = arith.constant 0 : i32
      %dma_start3A_106 = arith.constant 0 : i32
      %dma_start3A_107 = tpu.memref_slice %arg7[%arg1, %dma_start3A_105, %dma_start3A_106] : memref<16x256x32xf32, #tpu.memory_space<vmem_shared>> -> memref<1x256x32xf32, #tpu.memory_space<vmem_shared>>
      %dma_start3A_108 = tpu.memref_squeeze %dma_start3A_107 : memref<1x256x32xf32, #tpu.memory_space<vmem_shared>> -> memref<256x32xf32, #tpu.memory_space<vmem_shared>>
      %dma_start3A_109 = arith.constant 0 : i32
      %dma_start3A_110 = tpu.memref_slice %dma_start3A_108[%add3A_104, %dma_start3A_109] : memref<256x32xf32, #tpu.memory_space<vmem_shared>> -> memref<1x32xf32, #tpu.memory_space<vmem_shared>>
      %dma_start3A_111 = arith.constant 0 : i32
      %dma_start3A_112 = tpu.memref_slice %arg3[%squeeze3A_100, %dma_start3A_111] : memref<1000000x32xf32, #tpu.memory_space<hbm>> -> memref<1x32xf32, #tpu.memory_space<hbm>>
      tpu.enqueue_dma source(%dma_start3A_112 : memref<1x32xf32, #tpu.memory_space<hbm>>) target(%dma_start3A_110 : memref<1x32xf32, #tpu.memory_space<vmem_shared>>) target_semaphore(%arg9 : memref<!tpu.dma_semaphore, #tpu.memory_space<semaphore_mem>>)
      %slice3A_113 = vector.extract_strided_slice %get3A_25 {offsets = [3], sizes = [1], strides = [1]} : vector<16xi32> to vector<1xi32>
      %squeeze3A_114 = vector.extract %slice3A_113[0] : i32 from vector<1xi32>
      %mul3A_115 = arith.constant 16 : i32
      %mul3A_116 = arith.muli %scan3A_22, %mul3A_115 : i32
      %add3A_117 = arith.constant 3 : i32
      %add3A_118 = arith.addi %mul3A_116, %add3A_117 : i32
      %dma_start3A_119 = arith.constant 0 : i32
      %dma_start3A_120 = tpu.memref_slice %arg6[%add3A_118, %dma_start3A_119] : memref<256x32xf32, #tpu.memory_space<vmem>> -> memref<1x32xf32, #tpu.memory_space<vmem>>
      %dma_start3A_121 = arith.constant 0 : i32
      %dma_start3A_122 = tpu.memref_slice %arg3[%squeeze3A_114, %dma_start3A_121] : memref<1000000x32xf32, #tpu.memory_space<hbm>> -> memref<1x32xf32, #tpu.memory_space<hbm>>
      %dma_start3A_123 = arith.constant 0 : i32
      %dma_start3A_124 = tpu.memref_slice %arg6[%add3A_118, %dma_start3A_123] : memref<256x32xf32, #tpu.memory_space<vmem>> -> memref<1x32xf32, #tpu.memory_space<vmem>>
      %dma_start3A_125 = arith.constant 0 : i32
      %dma_start3A_126 = tpu.memref_slice %arg3[%squeeze3A_114, %dma_start3A_125] : memref<1000000x32xf32, #tpu.memory_space<hbm>> -> memref<1x32xf32, #tpu.memory_space<hbm>>
      tpu.enqueue_dma source(%dma_start3A_126 : memref<1x32xf32, #tpu.memory_space<hbm>>) target(%dma_start3A_124 : memref<1x32xf32, #tpu.memory_space<vmem>>) target_semaphore(%arg8 : memref<!tpu.dma_semaphore, #tpu.memory_space<semaphore_mem>>)
      %slice3A_127 = vector.extract_strided_slice %get3A_31 {offsets = [3], sizes = [1], strides = [1]} : vector<16xi32> to vector<1xi32>
      %squeeze3A_128 = vector.extract %slice3A_127[0] : i32 from vector<1xi32>
      %mul3A_129 = arith.constant 16 : i32
      %mul3A_130 = arith.muli %scan3A_22, %mul3A_129 : i32
      %add3A_131 = arith.constant 3 : i32
      %add3A_132 = arith.addi %mul3A_130, %add3A_131 : i32
      %dma_start3A_133 = arith.constant 0 : i32
      %dma_start3A_134 = arith.constant 0 : i32
      %dma_start3A_135 = tpu.memref_slice %arg7[%arg1, %dma_start3A_133, %dma_start3A_134] : memref<16x256x32xf32, #tpu.memory_space<vmem_shared>> -> memref<1x256x32xf32, #tpu.memory_space<vmem_shared>>
      %dma_start3A_136 = tpu.memref_squeeze %dma_start3A_135 : memref<1x256x32xf32, #tpu.memory_space<vmem_shared>> -> memref<256x32xf32, #tpu.memory_space<vmem_shared>>
      %dma_start3A_137 = arith.constant 0 : i32
      %dma_start3A_138 = tpu.memref_slice %dma_start3A_136[%add3A_132, %dma_start3A_137] : memref<256x32xf32, #tpu.memory_space<vmem_shared>> -> memref<1x32xf32, #tpu.memory_space<vmem_shared>>
      %dma_start3A_139 = arith.constant 0 : i32
      %dma_start3A_140 = tpu.memref_slice %arg3[%squeeze3A_128, %dma_start3A_139] : memref<1000000x32xf32, #tpu.memory_space<hbm>> -> memref<1x32xf32, #tpu.memory_space<hbm>>
      tpu.enqueue_dma source(%dma_start3A_140 : memref<1x32xf32, #tpu.memory_space<hbm>>) target(%dma_start3A_138 : memref<1x32xf32, #tpu.memory_space<vmem_shared>>) target_semaphore(%arg9 : memref<!tpu.dma_semaphore, #tpu.memory_space<semaphore_mem>>)
      %slice3A_141 = vector.extract_strided_slice %get3A_25 {offsets = [4], sizes = [1], strides = [1]} : vector<16xi32> to vector<1xi32>
      %squeeze3A_142 = vector.extract %slice3A_141[0] : i32 from vector<1xi32>
      %mul3A_143 = arith.constant 16 : i32
      %mul3A_144 = arith.muli %scan3A_22, %mul3A_143 : i32
      %add3A_145 = arith.constant 4 : i32
      %add3A_146 = arith.addi %mul3A_144, %add3A_145 : i32
      %dma_start3A_147 = arith.constant 0 : i32
      %dma_start3A_148 = tpu.memref_slice %arg6[%add3A_146, %dma_start3A_147] : memref<256x32xf32, #tpu.memory_space<vmem>> -> memref<1x32xf32, #tpu.memory_space<vmem>>
      %dma_start3A_149 = arith.constant 0 : i32
      %dma_start3A_150 = tpu.memref_slice %arg3[%squeeze3A_142, %dma_start3A_149] : memref<1000000x32xf32, #tpu.memory_space<hbm>> -> memref<1x32xf32, #tpu.memory_space<hbm>>
      %dma_start3A_151 = arith.constant 0 : i32
      %dma_start3A_152 = tpu.memref_slice %arg6[%add3A_146, %dma_start3A_151] : memref<256x32xf32, #tpu.memory_space<vmem>> -> memref<1x32xf32, #tpu.memory_space<vmem>>
      %dma_start3A_153 = arith.constant 0 : i32
      %dma_start3A_154 = tpu.memref_slice %arg3[%squeeze3A_142, %dma_start3A_153] : memref<1000000x32xf32, #tpu.memory_space<hbm>> -> memref<1x32xf32, #tpu.memory_space<hbm>>
      tpu.enqueue_dma source(%dma_start3A_154 : memref<1x32xf32, #tpu.memory_space<hbm>>) target(%dma_start3A_152 : memref<1x32xf32, #tpu.memory_space<vmem>>) target_semaphore(%arg8 : memref<!tpu.dma_semaphore, #tpu.memory_space<semaphore_mem>>)
      %slice3A_155 = vector.extract_strided_slice %get3A_31 {offsets = [4], sizes = [1], strides = [1]} : vector<16xi32> to vector<1xi32>
      %squeeze3A_156 = vector.extract %slice3A_155[0] : i32 from vector<1xi32>
      %mul3A_157 = arith.constant 16 : i32
      %mul3A_158 = arith.muli %scan3A_22, %mul3A_157 : i32
      %add3A_159 = arith.constant 4 : i32
      %add3A_160 = arith.addi %mul3A_158, %add3A_159 : i32
      %dma_start3A_161 = arith.constant 0 : i32
      %dma_start3A_162 = arith.constant 0 : i32
      %dma_start3A_163 = tpu.memref_slice %arg7[%arg1, %dma_start3A_161, %dma_start3A_162] : memref<16x256x32xf32, #tpu.memory_space<vmem_shared>> -> memref<1x256x32xf32, #tpu.memory_space<vmem_shared>>
      %dma_start3A_164 = tpu.memref_squeeze %dma_start3A_163 : memref<1x256x32xf32, #tpu.memory_space<vmem_shared>> -> memref<256x32xf32, #tpu.memory_space<vmem_shared>>
      %dma_start3A_165 = arith.constant 0 : i32
      %dma_start3A_166 = tpu.memref_slice %dma_start3A_164[%add3A_160, %dma_start3A_165] : memref<256x32xf32, #tpu.memory_space<vmem_shared>> -> memref<1x32xf32, #tpu.memory_space<vmem_shared>>
      %dma_start3A_167 = arith.constant 0 : i32
      %dma_start3A_168 = tpu.memref_slice %arg3[%squeeze3A_156, %dma_start3A_167] : memref<1000000x32xf32, #tpu.memory_space<hbm>> -> memref<1x32xf32, #tpu.memory_space<hbm>>
      tpu.enqueue_dma source(%dma_start3A_168 : memref<1x32xf32, #tpu.memory_space<hbm>>) target(%dma_start3A_166 : memref<1x32xf32, #tpu.memory_space<vmem_shared>>) target_semaphore(%arg9 : memref<!tpu.dma_semaphore, #tpu.memory_space<semaphore_mem>>)
      %slice3A_169 = vector.extract_strided_slice %get3A_25 {offsets = [5], sizes = [1], strides = [1]} : vector<16xi32> to vector<1xi32>
      %squeeze3A_170 = vector.extract %slice3A_169[0] : i32 from vector<1xi32>
      %mul3A_171 = arith.constant 16 : i32
      %mul3A_172 = arith.muli %scan3A_22, %mul3A_171 : i32
      %add3A_173 = arith.constant 5 : i32
      %add3A_174 = arith.addi %mul3A_172, %add3A_173 : i32
      %dma_start3A_175 = arith.constant 0 : i32
      %dma_start3A_176 = tpu.memref_slice %arg6[%add3A_174, %dma_start3A_175] : memref<256x32xf32, #tpu.memory_space<vmem>> -> memref<1x32xf32, #tpu.memory_space<vmem>>
      %dma_start3A_177 = arith.constant 0 : i32
      %dma_start3A_178 = tpu.memref_slice %arg3[%squeeze3A_170, %dma_start3A_177] : memref<1000000x32xf32, #tpu.memory_space<hbm>> -> memref<1x32xf32, #tpu.memory_space<hbm>>
      %dma_start3A_179 = arith.constant 0 : i32
      %dma_start3A_180 = tpu.memref_slice %arg6[%add3A_174, %dma_start3A_179] : memref<256x32xf32, #tpu.memory_space<vmem>> -> memref<1x32xf32, #tpu.memory_space<vmem>>
      %dma_start3A_181 = arith.constant 0 : i32
      %dma_start3A_182 = tpu.memref_slice %arg3[%squeeze3A_170, %dma_start3A_181] : memref<1000000x32xf32, #tpu.memory_space<hbm>> -> memref<1x32xf32, #tpu.memory_space<hbm>>
      tpu.enqueue_dma source(%dma_start3A_182 : memref<1x32xf32, #tpu.memory_space<hbm>>) target(%dma_start3A_180 : memref<1x32xf32, #tpu.memory_space<vmem>>) target_semaphore(%arg8 : memref<!tpu.dma_semaphore, #tpu.memory_space<semaphore_mem>>)
      %slice3A_183 = vector.extract_strided_slice %get3A_31 {offsets = [5], sizes = [1], strides = [1]} : vector<16xi32> to vector<1xi32>
      %squeeze3A_184 = vector.extract %slice3A_183[0] : i32 from vector<1xi32>
      %mul3A_185 = arith.constant 16 : i32
      %mul3A_186 = arith.muli %scan3A_22, %mul3A_185 : i32
      %add3A_187 = arith.constant 5 : i32
      %add3A_188 = arith.addi %mul3A_186, %add3A_187 : i32
      %dma_start3A_189 = arith.constant 0 : i32
      %dma_start3A_190 = arith.constant 0 : i32
      %dma_start3A_191 = tpu.memref_slice %arg7[%arg1, %dma_start3A_189, %dma_start3A_190] : memref<16x256x32xf32, #tpu.memory_space<vmem_shared>> -> memref<1x256x32xf32, #tpu.memory_space<vmem_shared>>
      %dma_start3A_192 = tpu.memref_squeeze %dma_start3A_191 : memref<1x256x32xf32, #tpu.memory_space<vmem_shared>> -> memref<256x32xf32, #tpu.memory_space<vmem_shared>>
      %dma_start3A_193 = arith.constant 0 : i32
      %dma_start3A_194 = tpu.memref_slice %dma_start3A_192[%add3A_188, %dma_start3A_193] : memref<256x32xf32, #tpu.memory_space<vmem_shared>> -> memref<1x32xf32, #tpu.memory_space<vmem_shared>>
      %dma_start3A_195 = arith.constant 0 : i32
      %dma_start3A_196 = tpu.memref_slice %arg3[%squeeze3A_184, %dma_start3A_195] : memref<1000000x32xf32, #tpu.memory_space<hbm>> -> memref<1x32xf32, #tpu.memory_space<hbm>>
      tpu.enqueue_dma source(%dma_start3A_196 : memref<1x32xf32, #tpu.memory_space<hbm>>) target(%dma_start3A_194 : memref<1x32xf32, #tpu.memory_space<vmem_shared>>) target_semaphore(%arg9 : memref<!tpu.dma_semaphore, #tpu.memory_space<semaphore_mem>>)
      %slice3A_197 = vector.extract_strided_slice %get3A_25 {offsets = [6], sizes = [1], strides = [1]} : vector<16xi32> to vector<1xi32>
      %squeeze3A_198 = vector.extract %slice3A_197[0] : i32 from vector<1xi32>
      %mul3A_199 = arith.constant 16 : i32
      %mul3A_200 = arith.muli %scan3A_22, %mul3A_199 : i32
      %add3A_201 = arith.constant 6 : i32
      %add3A_202 = arith.addi %mul3A_200, %add3A_201 : i32
      %dma_start3A_203 = arith.constant 0 : i32
      %dma_start3A_204 = tpu.memref_slice %arg6[%add3A_202, %dma_start3A_203] : memref<256x32xf32, #tpu.memory_space<vmem>> -> memref<1x32xf32, #tpu.memory_space<vmem>>
      %dma_start3A_205 = arith.constant 0 : i32
      %dma_start3A_206 = tpu.memref_slice %arg3[%squeeze3A_198, %dma_start3A_205] : memref<1000000x32xf32, #tpu.memory_space<hbm>> -> memref<1x32xf32, #tpu.memory_space<hbm>>
      %dma_start3A_207 = arith.constant 0 : i32
      %dma_start3A_208 = tpu.memref_slice %arg6[%add3A_202, %dma_start3A_207] : memref<256x32xf32, #tpu.memory_space<vmem>> -> memref<1x32xf32, #tpu.memory_space<vmem>>
      %dma_start3A_209 = arith.constant 0 : i32
      %dma_start3A_210 = tpu.memref_slice %arg3[%squeeze3A_198, %dma_start3A_209] : memref<1000000x32xf32, #tpu.memory_space<hbm>> -> memref<1x32xf32, #tpu.memory_space<hbm>>
      tpu.enqueue_dma source(%dma_start3A_210 : memref<1x32xf32, #tpu.memory_space<hbm>>) target(%dma_start3A_208 : memref<1x32xf32, #tpu.memory_space<vmem>>) target_semaphore(%arg8 : memref<!tpu.dma_semaphore, #tpu.memory_space<semaphore_mem>>)
      %slice3A_211 = vector.extract_strided_slice %get3A_31 {offsets = [6], sizes = [1], strides = [1]} : vector<16xi32> to vector<1xi32>
      %squeeze3A_212 = vector.extract %slice3A_211[0] : i32 from vector<1xi32>
      %mul3A_213 = arith.constant 16 : i32
      %mul3A_214 = arith.muli %scan3A_22, %mul3A_213 : i32
      %add3A_215 = arith.constant 6 : i32
      %add3A_216 = arith.addi %mul3A_214, %add3A_215 : i32
      %dma_start3A_217 = arith.constant 0 : i32
      %dma_start3A_218 = arith.constant 0 : i32
      %dma_start3A_219 = tpu.memref_slice %arg7[%arg1, %dma_start3A_217, %dma_start3A_218] : memref<16x256x32xf32, #tpu.memory_space<vmem_shared>> -> memref<1x256x32xf32, #tpu.memory_space<vmem_shared>>
      %dma_start3A_220 = tpu.memref_squeeze %dma_start3A_219 : memref<1x256x32xf32, #tpu.memory_space<vmem_shared>> -> memref<256x32xf32, #tpu.memory_space<vmem_shared>>
      %dma_start3A_221 = arith.constant 0 : i32
      %dma_start3A_222 = tpu.memref_slice %dma_start3A_220[%add3A_216, %dma_start3A_221] : memref<256x32xf32, #tpu.memory_space<vmem_shared>> -> memref<1x32xf32, #tpu.memory_space<vmem_shared>>
      %dma_start3A_223 = arith.constant 0 : i32
      %dma_start3A_224 = tpu.memref_slice %arg3[%squeeze3A_212, %dma_start3A_223] : memref<1000000x32xf32, #tpu.memory_space<hbm>> -> memref<1x32xf32, #tpu.memory_space<hbm>>
      tpu.enqueue_dma source(%dma_start3A_224 : memref<1x32xf32, #tpu.memory_space<hbm>>) target(%dma_start3A_222 : memref<1x32xf32, #tpu.memory_space<vmem_shared>>) target_semaphore(%arg9 : memref<!tpu.dma_semaphore, #tpu.memory_space<semaphore_mem>>)
      %slice3A_225 = vector.extract_strided_slice %get3A_25 {offsets = [7], sizes = [1], strides = [1]} : vector<16xi32> to vector<1xi32>
      %squeeze3A_226 = vector.extract %slice3A_225[0] : i32 from vector<1xi32>
      %mul3A_227 = arith.constant 16 : i32
      %mul3A_228 = arith.muli %scan3A_22, %mul3A_227 : i32
      %add3A_229 = arith.constant 7 : i32
      %add3A_230 = arith.addi %mul3A_228, %add3A_229 : i32
      %dma_start3A_231 = arith.constant 0 : i32
      %dma_start3A_232 = tpu.memref_slice %arg6[%add3A_230, %dma_start3A_231] : memref<256x32xf32, #tpu.memory_space<vmem>> -> memref<1x32xf32, #tpu.memory_space<vmem>>
      %dma_start3A_233 = arith.constant 0 : i32
      %dma_start3A_234 = tpu.memref_slice %arg3[%squeeze3A_226, %dma_start3A_233] : memref<1000000x32xf32, #tpu.memory_space<hbm>> -> memref<1x32xf32, #tpu.memory_space<hbm>>
      %dma_start3A_235 = arith.constant 0 : i32
      %dma_start3A_236 = tpu.memref_slice %arg6[%add3A_230, %dma_start3A_235] : memref<256x32xf32, #tpu.memory_space<vmem>> -> memref<1x32xf32, #tpu.memory_space<vmem>>
      %dma_start3A_237 = arith.constant 0 : i32
      %dma_start3A_238 = tpu.memref_slice %arg3[%squeeze3A_226, %dma_start3A_237] : memref<1000000x32xf32, #tpu.memory_space<hbm>> -> memref<1x32xf32, #tpu.memory_space<hbm>>
      tpu.enqueue_dma source(%dma_start3A_238 : memref<1x32xf32, #tpu.memory_space<hbm>>) target(%dma_start3A_236 : memref<1x32xf32, #tpu.memory_space<vmem>>) target_semaphore(%arg8 : memref<!tpu.dma_semaphore, #tpu.memory_space<semaphore_mem>>)
      %slice3A_239 = vector.extract_strided_slice %get3A_31 {offsets = [7], sizes = [1], strides = [1]} : vector<16xi32> to vector<1xi32>
      %squeeze3A_240 = vector.extract %slice3A_239[0] : i32 from vector<1xi32>
      %mul3A_241 = arith.constant 16 : i32
      %mul3A_242 = arith.muli %scan3A_22, %mul3A_241 : i32
      %add3A_243 = arith.constant 7 : i32
      %add3A_244 = arith.addi %mul3A_242, %add3A_243 : i32
      %dma_start3A_245 = arith.constant 0 : i32
      %dma_start3A_246 = arith.constant 0 : i32
      %dma_start3A_247 = tpu.memref_slice %arg7[%arg1, %dma_start3A_245, %dma_start3A_246] : memref<16x256x32xf32, #tpu.memory_space<vmem_shared>> -> memref<1x256x32xf32, #tpu.memory_space<vmem_shared>>
      %dma_start3A_248 = tpu.memref_squeeze %dma_start3A_247 : memref<1x256x32xf32, #tpu.memory_space<vmem_shared>> -> memref<256x32xf32, #tpu.memory_space<vmem_shared>>
      %dma_start3A_249 = arith.constant 0 : i32
      %dma_start3A_250 = tpu.memref_slice %dma_start3A_248[%add3A_244, %dma_start3A_249] : memref<256x32xf32, #tpu.memory_space<vmem_shared>> -> memref<1x32xf32, #tpu.memory_space<vmem_shared>>
      %dma_start3A_251 = arith.constant 0 : i32
      %dma_start3A_252 = tpu.memref_slice %arg3[%squeeze3A_240, %dma_start3A_251] : memref<1000000x32xf32, #tpu.memory_space<hbm>> -> memref<1x32xf32, #tpu.memory_space<hbm>>
      tpu.enqueue_dma source(%dma_start3A_252 : memref<1x32xf32, #tpu.memory_space<hbm>>) target(%dma_start3A_250 : memref<1x32xf32, #tpu.memory_space<vmem_shared>>) target_semaphore(%arg9 : memref<!tpu.dma_semaphore, #tpu.memory_space<semaphore_mem>>)
      %slice3A_253 = vector.extract_strided_slice %get3A_25 {offsets = [8], sizes = [1], strides = [1]} : vector<16xi32> to vector<1xi32>
      %squeeze3A_254 = vector.extract %slice3A_253[0] : i32 from vector<1xi32>
      %mul3A_255 = arith.constant 16 : i32
      %mul3A_256 = arith.muli %scan3A_22, %mul3A_255 : i32
      %add3A_257 = arith.constant 8 : i32
      %add3A_258 = arith.addi %mul3A_256, %add3A_257 : i32
      %dma_start3A_259 = arith.constant 0 : i32
      %dma_start3A_260 = tpu.memref_slice %arg6[%add3A_258, %dma_start3A_259] : memref<256x32xf32, #tpu.memory_space<vmem>> -> memref<1x32xf32, #tpu.memory_space<vmem>>
      %dma_start3A_261 = arith.constant 0 : i32
      %dma_start3A_262 = tpu.memref_slice %arg3[%squeeze3A_254, %dma_start3A_261] : memref<1000000x32xf32, #tpu.memory_space<hbm>> -> memref<1x32xf32, #tpu.memory_space<hbm>>
      %dma_start3A_263 = arith.constant 0 : i32
      %dma_start3A_264 = tpu.memref_slice %arg6[%add3A_258, %dma_start3A_263] : memref<256x32xf32, #tpu.memory_space<vmem>> -> memref<1x32xf32, #tpu.memory_space<vmem>>
      %dma_start3A_265 = arith.constant 0 : i32
      %dma_start3A_266 = tpu.memref_slice %arg3[%squeeze3A_254, %dma_start3A_265] : memref<1000000x32xf32, #tpu.memory_space<hbm>> -> memref<1x32xf32, #tpu.memory_space<hbm>>
      tpu.enqueue_dma source(%dma_start3A_266 : memref<1x32xf32, #tpu.memory_space<hbm>>) target(%dma_start3A_264 : memref<1x32xf32, #tpu.memory_space<vmem>>) target_semaphore(%arg8 : memref<!tpu.dma_semaphore, #tpu.memory_space<semaphore_mem>>)
      %slice3A_267 = vector.extract_strided_slice %get3A_31 {offsets = [8], sizes = [1], strides = [1]} : vector<16xi32> to vector<1xi32>
      %squeeze3A_268 = vector.extract %slice3A_267[0] : i32 from vector<1xi32>
      %mul3A_269 = arith.constant 16 : i32
      %mul3A_270 = arith.muli %scan3A_22, %mul3A_269 : i32
      %add3A_271 = arith.constant 8 : i32
      %add3A_272 = arith.addi %mul3A_270, %add3A_271 : i32
      %dma_start3A_273 = arith.constant 0 : i32
      %dma_start3A_274 = arith.constant 0 : i32
      %dma_start3A_275 = tpu.memref_slice %arg7[%arg1, %dma_start3A_273, %dma_start3A_274] : memref<16x256x32xf32, #tpu.memory_space<vmem_shared>> -> memref<1x256x32xf32, #tpu.memory_space<vmem_shared>>
      %dma_start3A_276 = tpu.memref_squeeze %dma_start3A_275 : memref<1x256x32xf32, #tpu.memory_space<vmem_shared>> -> memref<256x32xf32, #tpu.memory_space<vmem_shared>>
      %dma_start3A_277 = arith.constant 0 : i32
      %dma_start3A_278 = tpu.memref_slice %dma_start3A_276[%add3A_272, %dma_start3A_277] : memref<256x32xf32, #tpu.memory_space<vmem_shared>> -> memref<1x32xf32, #tpu.memory_space<vmem_shared>>
      %dma_start3A_279 = arith.constant 0 : i32
      %dma_start3A_280 = tpu.memref_slice %arg3[%squeeze3A_268, %dma_start3A_279] : memref<1000000x32xf32, #tpu.memory_space<hbm>> -> memref<1x32xf32, #tpu.memory_space<hbm>>
      tpu.enqueue_dma source(%dma_start3A_280 : memref<1x32xf32, #tpu.memory_space<hbm>>) target(%dma_start3A_278 : memref<1x32xf32, #tpu.memory_space<vmem_shared>>) target_semaphore(%arg9 : memref<!tpu.dma_semaphore, #tpu.memory_space<semaphore_mem>>)
      %slice3A_281 = vector.extract_strided_slice %get3A_25 {offsets = [9], sizes = [1], strides = [1]} : vector<16xi32> to vector<1xi32>
      %squeeze3A_282 = vector.extract %slice3A_281[0] : i32 from vector<1xi32>
      %mul3A_283 = arith.constant 16 : i32
      %mul3A_284 = arith.muli %scan3A_22, %mul3A_283 : i32
      %add3A_285 = arith.constant 9 : i32
      %add3A_286 = arith.addi %mul3A_284, %add3A_285 : i32
      %dma_start3A_287 = arith.constant 0 : i32
      %dma_start3A_288 = tpu.memref_slice %arg6[%add3A_286, %dma_start3A_287] : memref<256x32xf32, #tpu.memory_space<vmem>> -> memref<1x32xf32, #tpu.memory_space<vmem>>
      %dma_start3A_289 = arith.constant 0 : i32
      %dma_start3A_290 = tpu.memref_slice %arg3[%squeeze3A_282, %dma_start3A_289] : memref<1000000x32xf32, #tpu.memory_space<hbm>> -> memref<1x32xf32, #tpu.memory_space<hbm>>
      %dma_start3A_291 = arith.constant 0 : i32
      %dma_start3A_292 = tpu.memref_slice %arg6[%add3A_286, %dma_start3A_291] : memref<256x32xf32, #tpu.memory_space<vmem>> -> memref<1x32xf32, #tpu.memory_space<vmem>>
      %dma_start3A_293 = arith.constant 0 : i32
      %dma_start3A_294 = tpu.memref_slice %arg3[%squeeze3A_282, %dma_start3A_293] : memref<1000000x32xf32, #tpu.memory_space<hbm>> -> memref<1x32xf32, #tpu.memory_space<hbm>>
      tpu.enqueue_dma source(%dma_start3A_294 : memref<1x32xf32, #tpu.memory_space<hbm>>) target(%dma_start3A_292 : memref<1x32xf32, #tpu.memory_space<vmem>>) target_semaphore(%arg8 : memref<!tpu.dma_semaphore, #tpu.memory_space<semaphore_mem>>)
      %slice3A_295 = vector.extract_strided_slice %get3A_31 {offsets = [9], sizes = [1], strides = [1]} : vector<16xi32> to vector<1xi32>
      %squeeze3A_296 = vector.extract %slice3A_295[0] : i32 from vector<1xi32>
      %mul3A_297 = arith.constant 16 : i32
      %mul3A_298 = arith.muli %scan3A_22, %mul3A_297 : i32
      %add3A_299 = arith.constant 9 : i32
      %add3A_300 = arith.addi %mul3A_298, %add3A_299 : i32
      %dma_start3A_301 = arith.constant 0 : i32
      %dma_start3A_302 = arith.constant 0 : i32
      %dma_start3A_303 = tpu.memref_slice %arg7[%arg1, %dma_start3A_301, %dma_start3A_302] : memref<16x256x32xf32, #tpu.memory_space<vmem_shared>> -> memref<1x256x32xf32, #tpu.memory_space<vmem_shared>>
      %dma_start3A_304 = tpu.memref_squeeze %dma_start3A_303 : memref<1x256x32xf32, #tpu.memory_space<vmem_shared>> -> memref<256x32xf32, #tpu.memory_space<vmem_shared>>
      %dma_start3A_305 = arith.constant 0 : i32
      %dma_start3A_306 = tpu.memref_slice %dma_start3A_304[%add3A_300, %dma_start3A_305] : memref<256x32xf32, #tpu.memory_space<vmem_shared>> -> memref<1x32xf32, #tpu.memory_space<vmem_shared>>
      %dma_start3A_307 = arith.constant 0 : i32
      %dma_start3A_308 = tpu.memref_slice %arg3[%squeeze3A_296, %dma_start3A_307] : memref<1000000x32xf32, #tpu.memory_space<hbm>> -> memref<1x32xf32, #tpu.memory_space<hbm>>
      tpu.enqueue_dma source(%dma_start3A_308 : memref<1x32xf32, #tpu.memory_space<hbm>>) target(%dma_start3A_306 : memref<1x32xf32, #tpu.memory_space<vmem_shared>>) target_semaphore(%arg9 : memref<!tpu.dma_semaphore, #tpu.memory_space<semaphore_mem>>)
      %slice3A_309 = vector.extract_strided_slice %get3A_25 {offsets = [10], sizes = [1], strides = [1]} : vector<16xi32> to vector<1xi32>
      %squeeze3A_310 = vector.extract %slice3A_309[0] : i32 from vector<1xi32>
      %mul3A_311 = arith.constant 16 : i32
      %mul3A_312 = arith.muli %scan3A_22, %mul3A_311 : i32
      %add3A_313 = arith.constant 10 : i32
      %add3A_314 = arith.addi %mul3A_312, %add3A_313 : i32
      %dma_start3A_315 = arith.constant 0 : i32
      %dma_start3A_316 = tpu.memref_slice %arg6[%add3A_314, %dma_start3A_315] : memref<256x32xf32, #tpu.memory_space<vmem>> -> memref<1x32xf32, #tpu.memory_space<vmem>>
      %dma_start3A_317 = arith.constant 0 : i32
      %dma_start3A_318 = tpu.memref_slice %arg3[%squeeze3A_310, %dma_start3A_317] : memref<1000000x32xf32, #tpu.memory_space<hbm>> -> memref<1x32xf32, #tpu.memory_space<hbm>>
      %dma_start3A_319 = arith.constant 0 : i32
      %dma_start3A_320 = tpu.memref_slice %arg6[%add3A_314, %dma_start3A_319] : memref<256x32xf32, #tpu.memory_space<vmem>> -> memref<1x32xf32, #tpu.memory_space<vmem>>
      %dma_start3A_321 = arith.constant 0 : i32
      %dma_start3A_322 = tpu.memref_slice %arg3[%squeeze3A_310, %dma_start3A_321] : memref<1000000x32xf32, #tpu.memory_space<hbm>> -> memref<1x32xf32, #tpu.memory_space<hbm>>
      tpu.enqueue_dma source(%dma_start3A_322 : memref<1x32xf32, #tpu.memory_space<hbm>>) target(%dma_start3A_320 : memref<1x32xf32, #tpu.memory_space<vmem>>) target_semaphore(%arg8 : memref<!tpu.dma_semaphore, #tpu.memory_space<semaphore_mem>>)
      %slice3A_323 = vector.extract_strided_slice %get3A_31 {offsets = [10], sizes = [1], strides = [1]} : vector<16xi32> to vector<1xi32>
      %squeeze3A_324 = vector.extract %slice3A_323[0] : i32 from vector<1xi32>
      %mul3A_325 = arith.constant 16 : i32
      %mul3A_326 = arith.muli %scan3A_22, %mul3A_325 : i32
      %add3A_327 = arith.constant 10 : i32
      %add3A_328 = arith.addi %mul3A_326, %add3A_327 : i32
      %dma_start3A_329 = arith.constant 0 : i32
      %dma_start3A_330 = arith.constant 0 : i32
      %dma_start3A_331 = tpu.memref_slice %arg7[%arg1, %dma_start3A_329, %dma_start3A_330] : memref<16x256x32xf32, #tpu.memory_space<vmem_shared>> -> memref<1x256x32xf32, #tpu.memory_space<vmem_shared>>
      %dma_start3A_332 = tpu.memref_squeeze %dma_start3A_331 : memref<1x256x32xf32, #tpu.memory_space<vmem_shared>> -> memref<256x32xf32, #tpu.memory_space<vmem_shared>>
      %dma_start3A_333 = arith.constant 0 : i32
      %dma_start3A_334 = tpu.memref_slice %dma_start3A_332[%add3A_328, %dma_start3A_333] : memref<256x32xf32, #tpu.memory_space<vmem_shared>> -> memref<1x32xf32, #tpu.memory_space<vmem_shared>>
      %dma_start3A_335 = arith.constant 0 : i32
      %dma_start3A_336 = tpu.memref_slice %arg3[%squeeze3A_324, %dma_start3A_335] : memref<1000000x32xf32, #tpu.memory_space<hbm>> -> memref<1x32xf32, #tpu.memory_space<hbm>>
      tpu.enqueue_dma source(%dma_start3A_336 : memref<1x32xf32, #tpu.memory_space<hbm>>) target(%dma_start3A_334 : memref<1x32xf32, #tpu.memory_space<vmem_shared>>) target_semaphore(%arg9 : memref<!tpu.dma_semaphore, #tpu.memory_space<semaphore_mem>>)
      %slice3A_337 = vector.extract_strided_slice %get3A_25 {offsets = [11], sizes = [1], strides = [1]} : vector<16xi32> to vector<1xi32>
      %squeeze3A_338 = vector.extract %slice3A_337[0] : i32 from vector<1xi32>
      %mul3A_339 = arith.constant 16 : i32
      %mul3A_340 = arith.muli %scan3A_22, %mul3A_339 : i32
      %add3A_341 = arith.constant 11 : i32
      %add3A_342 = arith.addi %mul3A_340, %add3A_341 : i32
      %dma_start3A_343 = arith.constant 0 : i32
      %dma_start3A_344 = tpu.memref_slice %arg6[%add3A_342, %dma_start3A_343] : memref<256x32xf32, #tpu.memory_space<vmem>> -> memref<1x32xf32, #tpu.memory_space<vmem>>
      %dma_start3A_345 = arith.constant 0 : i32
      %dma_start3A_346 = tpu.memref_slice %arg3[%squeeze3A_338, %dma_start3A_345] : memref<1000000x32xf32, #tpu.memory_space<hbm>> -> memref<1x32xf32, #tpu.memory_space<hbm>>
      %dma_start3A_347 = arith.constant 0 : i32
      %dma_start3A_348 = tpu.memref_slice %arg6[%add3A_342, %dma_start3A_347] : memref<256x32xf32, #tpu.memory_space<vmem>> -> memref<1x32xf32, #tpu.memory_space<vmem>>
      %dma_start3A_349 = arith.constant 0 : i32
      %dma_start3A_350 = tpu.memref_slice %arg3[%squeeze3A_338, %dma_start3A_349] : memref<1000000x32xf32, #tpu.memory_space<hbm>> -> memref<1x32xf32, #tpu.memory_space<hbm>>
      tpu.enqueue_dma source(%dma_start3A_350 : memref<1x32xf32, #tpu.memory_space<hbm>>) target(%dma_start3A_348 : memref<1x32xf32, #tpu.memory_space<vmem>>) target_semaphore(%arg8 : memref<!tpu.dma_semaphore, #tpu.memory_space<semaphore_mem>>)
      %slice3A_351 = vector.extract_strided_slice %get3A_31 {offsets = [11], sizes = [1], strides = [1]} : vector<16xi32> to vector<1xi32>
      %squeeze3A_352 = vector.extract %slice3A_351[0] : i32 from vector<1xi32>
      %mul3A_353 = arith.constant 16 : i32
      %mul3A_354 = arith.muli %scan3A_22, %mul3A_353 : i32
      %add3A_355 = arith.constant 11 : i32
      %add3A_356 = arith.addi %mul3A_354, %add3A_355 : i32
      %dma_start3A_357 = arith.constant 0 : i32
      %dma_start3A_358 = arith.constant 0 : i32
      %dma_start3A_359 = tpu.memref_slice %arg7[%arg1, %dma_start3A_357, %dma_start3A_358] : memref<16x256x32xf32, #tpu.memory_space<vmem_shared>> -> memref<1x256x32xf32, #tpu.memory_space<vmem_shared>>
      %dma_start3A_360 = tpu.memref_squeeze %dma_start3A_359 : memref<1x256x32xf32, #tpu.memory_space<vmem_shared>> -> memref<256x32xf32, #tpu.memory_space<vmem_shared>>
      %dma_start3A_361 = arith.constant 0 : i32
      %dma_start3A_362 = tpu.memref_slice %dma_start3A_360[%add3A_356, %dma_start3A_361] : memref<256x32xf32, #tpu.memory_space<vmem_shared>> -> memref<1x32xf32, #tpu.memory_space<vmem_shared>>
      %dma_start3A_363 = arith.constant 0 : i32
      %dma_start3A_364 = tpu.memref_slice %arg3[%squeeze3A_352, %dma_start3A_363] : memref<1000000x32xf32, #tpu.memory_space<hbm>> -> memref<1x32xf32, #tpu.memory_space<hbm>>
      tpu.enqueue_dma source(%dma_start3A_364 : memref<1x32xf32, #tpu.memory_space<hbm>>) target(%dma_start3A_362 : memref<1x32xf32, #tpu.memory_space<vmem_shared>>) target_semaphore(%arg9 : memref<!tpu.dma_semaphore, #tpu.memory_space<semaphore_mem>>)
      %slice3A_365 = vector.extract_strided_slice %get3A_25 {offsets = [12], sizes = [1], strides = [1]} : vector<16xi32> to vector<1xi32>
      %squeeze3A_366 = vector.extract %slice3A_365[0] : i32 from vector<1xi32>
      %mul3A_367 = arith.constant 16 : i32
      %mul3A_368 = arith.muli %scan3A_22, %mul3A_367 : i32
      %add3A_369 = arith.constant 12 : i32
      %add3A_370 = arith.addi %mul3A_368, %add3A_369 : i32
      %dma_start3A_371 = arith.constant 0 : i32
      %dma_start3A_372 = tpu.memref_slice %arg6[%add3A_370, %dma_start3A_371] : memref<256x32xf32, #tpu.memory_space<vmem>> -> memref<1x32xf32, #tpu.memory_space<vmem>>
      %dma_start3A_373 = arith.constant 0 : i32
      %dma_start3A_374 = tpu.memref_slice %arg3[%squeeze3A_366, %dma_start3A_373] : memref<1000000x32xf32, #tpu.memory_space<hbm>> -> memref<1x32xf32, #tpu.memory_space<hbm>>
      %dma_start3A_375 = arith.constant 0 : i32
      %dma_start3A_376 = tpu.memref_slice %arg6[%add3A_370, %dma_start3A_375] : memref<256x32xf32, #tpu.memory_space<vmem>> -> memref<1x32xf32, #tpu.memory_space<vmem>>
      %dma_start3A_377 = arith.constant 0 : i32
      %dma_start3A_378 = tpu.memref_slice %arg3[%squeeze3A_366, %dma_start3A_377] : memref<1000000x32xf32, #tpu.memory_space<hbm>> -> memref<1x32xf32, #tpu.memory_space<hbm>>
      tpu.enqueue_dma source(%dma_start3A_378 : memref<1x32xf32, #tpu.memory_space<hbm>>) target(%dma_start3A_376 : memref<1x32xf32, #tpu.memory_space<vmem>>) target_semaphore(%arg8 : memref<!tpu.dma_semaphore, #tpu.memory_space<semaphore_mem>>)
      %slice3A_379 = vector.extract_strided_slice %get3A_31 {offsets = [12], sizes = [1], strides = [1]} : vector<16xi32> to vector<1xi32>
      %squeeze3A_380 = vector.extract %slice3A_379[0] : i32 from vector<1xi32>
      %mul3A_381 = arith.constant 16 : i32
      %mul3A_382 = arith.muli %scan3A_22, %mul3A_381 : i32
      %add3A_383 = arith.constant 12 : i32
      %add3A_384 = arith.addi %mul3A_382, %add3A_383 : i32
      %dma_start3A_385 = arith.constant 0 : i32
      %dma_start3A_386 = arith.constant 0 : i32
      %dma_start3A_387 = tpu.memref_slice %arg7[%arg1, %dma_start3A_385, %dma_start3A_386] : memref<16x256x32xf32, #tpu.memory_space<vmem_shared>> -> memref<1x256x32xf32, #tpu.memory_space<vmem_shared>>
      %dma_start3A_388 = tpu.memref_squeeze %dma_start3A_387 : memref<1x256x32xf32, #tpu.memory_space<vmem_shared>> -> memref<256x32xf32, #tpu.memory_space<vmem_shared>>
      %dma_start3A_389 = arith.constant 0 : i32
      %dma_start3A_390 = tpu.memref_slice %dma_start3A_388[%add3A_384, %dma_start3A_389] : memref<256x32xf32, #tpu.memory_space<vmem_shared>> -> memref<1x32xf32, #tpu.memory_space<vmem_shared>>
      %dma_start3A_391 = arith.constant 0 : i32
      %dma_start3A_392 = tpu.memref_slice %arg3[%squeeze3A_380, %dma_start3A_391] : memref<1000000x32xf32, #tpu.memory_space<hbm>> -> memref<1x32xf32, #tpu.memory_space<hbm>>
      tpu.enqueue_dma source(%dma_start3A_392 : memref<1x32xf32, #tpu.memory_space<hbm>>) target(%dma_start3A_390 : memref<1x32xf32, #tpu.memory_space<vmem_shared>>) target_semaphore(%arg9 : memref<!tpu.dma_semaphore, #tpu.memory_space<semaphore_mem>>)
      %slice3A_393 = vector.extract_strided_slice %get3A_25 {offsets = [13], sizes = [1], strides = [1]} : vector<16xi32> to vector<1xi32>
      %squeeze3A_394 = vector.extract %slice3A_393[0] : i32 from vector<1xi32>
      %mul3A_395 = arith.constant 16 : i32
      %mul3A_396 = arith.muli %scan3A_22, %mul3A_395 : i32
      %add3A_397 = arith.constant 13 : i32
      %add3A_398 = arith.addi %mul3A_396, %add3A_397 : i32
      %dma_start3A_399 = arith.constant 0 : i32
      %dma_start3A_400 = tpu.memref_slice %arg6[%add3A_398, %dma_start3A_399] : memref<256x32xf32, #tpu.memory_space<vmem>> -> memref<1x32xf32, #tpu.memory_space<vmem>>
      %dma_start3A_401 = arith.constant 0 : i32
      %dma_start3A_402 = tpu.memref_slice %arg3[%squeeze3A_394, %dma_start3A_401] : memref<1000000x32xf32, #tpu.memory_space<hbm>> -> memref<1x32xf32, #tpu.memory_space<hbm>>
      %dma_start3A_403 = arith.constant 0 : i32
      %dma_start3A_404 = tpu.memref_slice %arg6[%add3A_398, %dma_start3A_403] : memref<256x32xf32, #tpu.memory_space<vmem>> -> memref<1x32xf32, #tpu.memory_space<vmem>>
      %dma_start3A_405 = arith.constant 0 : i32
      %dma_start3A_406 = tpu.memref_slice %arg3[%squeeze3A_394, %dma_start3A_405] : memref<1000000x32xf32, #tpu.memory_space<hbm>> -> memref<1x32xf32, #tpu.memory_space<hbm>>
      tpu.enqueue_dma source(%dma_start3A_406 : memref<1x32xf32, #tpu.memory_space<hbm>>) target(%dma_start3A_404 : memref<1x32xf32, #tpu.memory_space<vmem>>) target_semaphore(%arg8 : memref<!tpu.dma_semaphore, #tpu.memory_space<semaphore_mem>>)
      %slice3A_407 = vector.extract_strided_slice %get3A_31 {offsets = [13], sizes = [1], strides = [1]} : vector<16xi32> to vector<1xi32>
      %squeeze3A_408 = vector.extract %slice3A_407[0] : i32 from vector<1xi32>
      %mul3A_409 = arith.constant 16 : i32
      %mul3A_410 = arith.muli %scan3A_22, %mul3A_409 : i32
      %add3A_411 = arith.constant 13 : i32
      %add3A_412 = arith.addi %mul3A_410, %add3A_411 : i32
      %dma_start3A_413 = arith.constant 0 : i32
      %dma_start3A_414 = arith.constant 0 : i32
      %dma_start3A_415 = tpu.memref_slice %arg7[%arg1, %dma_start3A_413, %dma_start3A_414] : memref<16x256x32xf32, #tpu.memory_space<vmem_shared>> -> memref<1x256x32xf32, #tpu.memory_space<vmem_shared>>
      %dma_start3A_416 = tpu.memref_squeeze %dma_start3A_415 : memref<1x256x32xf32, #tpu.memory_space<vmem_shared>> -> memref<256x32xf32, #tpu.memory_space<vmem_shared>>
      %dma_start3A_417 = arith.constant 0 : i32
      %dma_start3A_418 = tpu.memref_slice %dma_start3A_416[%add3A_412, %dma_start3A_417] : memref<256x32xf32, #tpu.memory_space<vmem_shared>> -> memref<1x32xf32, #tpu.memory_space<vmem_shared>>
      %dma_start3A_419 = arith.constant 0 : i32
      %dma_start3A_420 = tpu.memref_slice %arg3[%squeeze3A_408, %dma_start3A_419] : memref<1000000x32xf32, #tpu.memory_space<hbm>> -> memref<1x32xf32, #tpu.memory_space<hbm>>
      tpu.enqueue_dma source(%dma_start3A_420 : memref<1x32xf32, #tpu.memory_space<hbm>>) target(%dma_start3A_418 : memref<1x32xf32, #tpu.memory_space<vmem_shared>>) target_semaphore(%arg9 : memref<!tpu.dma_semaphore, #tpu.memory_space<semaphore_mem>>)
      %slice3A_421 = vector.extract_strided_slice %get3A_25 {offsets = [14], sizes = [1], strides = [1]} : vector<16xi32> to vector<1xi32>
      %squeeze3A_422 = vector.extract %slice3A_421[0] : i32 from vector<1xi32>
      %mul3A_423 = arith.constant 16 : i32
      %mul3A_424 = arith.muli %scan3A_22, %mul3A_423 : i32
      %add3A_425 = arith.constant 14 : i32
      %add3A_426 = arith.addi %mul3A_424, %add3A_425 : i32
      %dma_start3A_427 = arith.constant 0 : i32
      %dma_start3A_428 = tpu.memref_slice %arg6[%add3A_426, %dma_start3A_427] : memref<256x32xf32, #tpu.memory_space<vmem>> -> memref<1x32xf32, #tpu.memory_space<vmem>>
      %dma_start3A_429 = arith.constant 0 : i32
      %dma_start3A_430 = tpu.memref_slice %arg3[%squeeze3A_422, %dma_start3A_429] : memref<1000000x32xf32, #tpu.memory_space<hbm>> -> memref<1x32xf32, #tpu.memory_space<hbm>>
      %dma_start3A_431 = arith.constant 0 : i32
      %dma_start3A_432 = tpu.memref_slice %arg6[%add3A_426, %dma_start3A_431] : memref<256x32xf32, #tpu.memory_space<vmem>> -> memref<1x32xf32, #tpu.memory_space<vmem>>
      %dma_start3A_433 = arith.constant 0 : i32
      %dma_start3A_434 = tpu.memref_slice %arg3[%squeeze3A_422, %dma_start3A_433] : memref<1000000x32xf32, #tpu.memory_space<hbm>> -> memref<1x32xf32, #tpu.memory_space<hbm>>
      tpu.enqueue_dma source(%dma_start3A_434 : memref<1x32xf32, #tpu.memory_space<hbm>>) target(%dma_start3A_432 : memref<1x32xf32, #tpu.memory_space<vmem>>) target_semaphore(%arg8 : memref<!tpu.dma_semaphore, #tpu.memory_space<semaphore_mem>>)
      %slice3A_435 = vector.extract_strided_slice %get3A_31 {offsets = [14], sizes = [1], strides = [1]} : vector<16xi32> to vector<1xi32>
      %squeeze3A_436 = vector.extract %slice3A_435[0] : i32 from vector<1xi32>
      %mul3A_437 = arith.constant 16 : i32
      %mul3A_438 = arith.muli %scan3A_22, %mul3A_437 : i32
      %add3A_439 = arith.constant 14 : i32
      %add3A_440 = arith.addi %mul3A_438, %add3A_439 : i32
      %dma_start3A_441 = arith.constant 0 : i32
      %dma_start3A_442 = arith.constant 0 : i32
      %dma_start3A_443 = tpu.memref_slice %arg7[%arg1, %dma_start3A_441, %dma_start3A_442] : memref<16x256x32xf32, #tpu.memory_space<vmem_shared>> -> memref<1x256x32xf32, #tpu.memory_space<vmem_shared>>
      %dma_start3A_444 = tpu.memref_squeeze %dma_start3A_443 : memref<1x256x32xf32, #tpu.memory_space<vmem_shared>> -> memref<256x32xf32, #tpu.memory_space<vmem_shared>>
      %dma_start3A_445 = arith.constant 0 : i32
      %dma_start3A_446 = tpu.memref_slice %dma_start3A_444[%add3A_440, %dma_start3A_445] : memref<256x32xf32, #tpu.memory_space<vmem_shared>> -> memref<1x32xf32, #tpu.memory_space<vmem_shared>>
      %dma_start3A_447 = arith.constant 0 : i32
      %dma_start3A_448 = tpu.memref_slice %arg3[%squeeze3A_436, %dma_start3A_447] : memref<1000000x32xf32, #tpu.memory_space<hbm>> -> memref<1x32xf32, #tpu.memory_space<hbm>>
      tpu.enqueue_dma source(%dma_start3A_448 : memref<1x32xf32, #tpu.memory_space<hbm>>) target(%dma_start3A_446 : memref<1x32xf32, #tpu.memory_space<vmem_shared>>) target_semaphore(%arg9 : memref<!tpu.dma_semaphore, #tpu.memory_space<semaphore_mem>>)
      %slice3A_449 = vector.extract_strided_slice %get3A_25 {offsets = [15], sizes = [1], strides = [1]} : vector<16xi32> to vector<1xi32>
      %squeeze3A_450 = vector.extract %slice3A_449[0] : i32 from vector<1xi32>
      %mul3A_451 = arith.constant 16 : i32
      %mul3A_452 = arith.muli %scan3A_22, %mul3A_451 : i32
      %add3A_453 = arith.constant 15 : i32
      %add3A_454 = arith.addi %mul3A_452, %add3A_453 : i32
      %dma_start3A_455 = arith.constant 0 : i32
      %dma_start3A_456 = tpu.memref_slice %arg6[%add3A_454, %dma_start3A_455] : memref<256x32xf32, #tpu.memory_space<vmem>> -> memref<1x32xf32, #tpu.memory_space<vmem>>
      %dma_start3A_457 = arith.constant 0 : i32
      %dma_start3A_458 = tpu.memref_slice %arg3[%squeeze3A_450, %dma_start3A_457] : memref<1000000x32xf32, #tpu.memory_space<hbm>> -> memref<1x32xf32, #tpu.memory_space<hbm>>
      %dma_start3A_459 = arith.constant 0 : i32
      %dma_start3A_460 = tpu.memref_slice %arg6[%add3A_454, %dma_start3A_459] : memref<256x32xf32, #tpu.memory_space<vmem>> -> memref<1x32xf32, #tpu.memory_space<vmem>>
      %dma_start3A_461 = arith.constant 0 : i32
      %dma_start3A_462 = tpu.memref_slice %arg3[%squeeze3A_450, %dma_start3A_461] : memref<1000000x32xf32, #tpu.memory_space<hbm>> -> memref<1x32xf32, #tpu.memory_space<hbm>>
      tpu.enqueue_dma source(%dma_start3A_462 : memref<1x32xf32, #tpu.memory_space<hbm>>) target(%dma_start3A_460 : memref<1x32xf32, #tpu.memory_space<vmem>>) target_semaphore(%arg8 : memref<!tpu.dma_semaphore, #tpu.memory_space<semaphore_mem>>)
      %slice3A_463 = vector.extract_strided_slice %get3A_31 {offsets = [15], sizes = [1], strides = [1]} : vector<16xi32> to vector<1xi32>
      %squeeze3A_464 = vector.extract %slice3A_463[0] : i32 from vector<1xi32>
      %mul3A_465 = arith.constant 16 : i32
      %mul3A_466 = arith.muli %scan3A_22, %mul3A_465 : i32
      %add3A_467 = arith.constant 15 : i32
      %add3A_468 = arith.addi %mul3A_466, %add3A_467 : i32
      %dma_start3A_469 = arith.constant 0 : i32
      %dma_start3A_470 = arith.constant 0 : i32
      %dma_start3A_471 = tpu.memref_slice %arg7[%arg1, %dma_start3A_469, %dma_start3A_470] : memref<16x256x32xf32, #tpu.memory_space<vmem_shared>> -> memref<1x256x32xf32, #tpu.memory_space<vmem_shared>>
      %dma_start3A_472 = tpu.memref_squeeze %dma_start3A_471 : memref<1x256x32xf32, #tpu.memory_space<vmem_shared>> -> memref<256x32xf32, #tpu.memory_space<vmem_shared>>
      %dma_start3A_473 = arith.constant 0 : i32
      %dma_start3A_474 = tpu.memref_slice %dma_start3A_472[%add3A_468, %dma_start3A_473] : memref<256x32xf32, #tpu.memory_space<vmem_shared>> -> memref<1x32xf32, #tpu.memory_space<vmem_shared>>
      %dma_start3A_475 = arith.constant 0 : i32
      %dma_start3A_476 = tpu.memref_slice %arg3[%squeeze3A_464, %dma_start3A_475] : memref<1000000x32xf32, #tpu.memory_space<hbm>> -> memref<1x32xf32, #tpu.memory_space<hbm>>
      tpu.enqueue_dma source(%dma_start3A_476 : memref<1x32xf32, #tpu.memory_space<hbm>>) target(%dma_start3A_474 : memref<1x32xf32, #tpu.memory_space<vmem_shared>>) target_semaphore(%arg9 : memref<!tpu.dma_semaphore, #tpu.memory_space<semaphore_mem>>)
    }
    %scan3A_7 = arith.constant 16 : i32
    %dma_wait3A = arith.constant 0 : i32
    %dma_wait3A_8 = arith.constant 0 : i32
    %dma_wait3A_9 = tpu.memref_slice %arg3[%dma_wait3A, %dma_wait3A_8] : memref<1000000x32xf32, #tpu.memory_space<hbm>> -> memref<256x32xf32, #tpu.memory_space<hbm>>
    %dma_wait3A_10 = arith.constant 0 : i32
    %dma_wait3A_11 = arith.constant 0 : i32
    %dma_wait3A_12 = tpu.memref_slice %arg3[%dma_wait3A_10, %dma_wait3A_11] : memref<1000000x32xf32, #tpu.memory_space<hbm>> -> memref<256x32xf32, #tpu.memory_space<hbm>>
    tpu.wait_dma2 semaphore(%arg8 : memref<!tpu.dma_semaphore, #tpu.memory_space<semaphore_mem>>) src(%dma_wait3A_12 : memref<256x32xf32, #tpu.memory_space<hbm>>) dst(%arg6 : memref<256x32xf32, #tpu.memory_space<vmem>>)
    %dma_wait3A_13 = arith.constant 0 : i32
    %dma_wait3A_14 = arith.constant 0 : i32
    %dma_wait3A_15 = tpu.memref_slice %arg7[%arg1, %dma_wait3A_13, %dma_wait3A_14] : memref<16x256x32xf32, #tpu.memory_space<vmem_shared>> -> memref<1x256x32xf32, #tpu.memory_space<vmem_shared>>
    %dma_wait3A_16 = tpu.memref_squeeze %dma_wait3A_15 : memref<1x256x32xf32, #tpu.memory_space<vmem_shared>> -> memref<256x32xf32, #tpu.memory_space<vmem_shared>>
    %dma_wait3A_17 = arith.constant 0 : i32
    %dma_wait3A_18 = arith.constant 0 : i32
    %dma_wait3A_19 = tpu.memref_slice %arg3[%dma_wait3A_17, %dma_wait3A_18] : memref<1000000x32xf32, #tpu.memory_space<hbm>> -> memref<256x32xf32, #tpu.memory_space<hbm>>
    tpu.wait_dma2 semaphore(%arg9 : memref<!tpu.dma_semaphore, #tpu.memory_space<semaphore_mem>>) src(%dma_wait3A_19 : memref<256x32xf32, #tpu.memory_space<hbm>>) dst(%dma_wait3A_16 : memref<256x32xf32, #tpu.memory_space<vmem_shared>>)
    "tpu.region"() ({
      %run_scoped3A = tpu.sem_alloc : memref<!tpu.dma_semaphore, #tpu.memory_space<semaphore_mem>>
      %dma_start3A = arith.constant 0 : i32
      %dma_start3A_22 = tpu.memref_slice %arg4[%mul3A_2, %dma_start3A] : memref<16384x32xf32, #tpu.memory_space<hbm>> -> memref<256x32xf32, #tpu.memory_space<hbm>>
      %dma_start3A_23 = arith.constant 0 : i32
      %dma_start3A_24 = tpu.memref_slice %arg4[%mul3A_2, %dma_start3A_23] : memref<16384x32xf32, #tpu.memory_space<hbm>> -> memref<256x32xf32, #tpu.memory_space<hbm>>
      tpu.enqueue_dma source(%arg6 : memref<256x32xf32, #tpu.memory_space<vmem>>) target(%dma_start3A_24 : memref<256x32xf32, #tpu.memory_space<hbm>>) target_semaphore(%run_scoped3A : memref<!tpu.dma_semaphore, #tpu.memory_space<semaphore_mem>>)
      %dma_wait3A_25 = arith.constant 0 : i32
      %dma_wait3A_26 = tpu.memref_slice %arg4[%mul3A_2, %dma_wait3A_25] : memref<16384x32xf32, #tpu.memory_space<hbm>> -> memref<256x32xf32, #tpu.memory_space<hbm>>
      %dma_wait3A_27 = arith.constant 0 : i32
      %dma_wait3A_28 = tpu.memref_slice %arg4[%mul3A_2, %dma_wait3A_27] : memref<16384x32xf32, #tpu.memory_space<hbm>> -> memref<256x32xf32, #tpu.memory_space<hbm>>
      tpu.wait_dma2 semaphore(%run_scoped3A : memref<!tpu.dma_semaphore, #tpu.memory_space<semaphore_mem>>) src(%arg6 : memref<256x32xf32, #tpu.memory_space<vmem>>) dst(%dma_wait3A_28 : memref<256x32xf32, #tpu.memory_space<hbm>>)
      tpu.yield
    }) : () -> ()
    %add3A_20 = arith.constant 256 : i32
    %add3A_21 = arith.addi %mul3A_2, %add3A_20 : i32
    "tpu.region"() ({
      %run_scoped3A = tpu.sem_alloc : memref<!tpu.dma_semaphore, #tpu.memory_space<semaphore_mem>>
      %dma_start3A = arith.constant 0 : i32
      %dma_start3A_22 = tpu.memref_slice %arg4[%add3A_21, %dma_start3A] : memref<16384x32xf32, #tpu.memory_space<hbm>> -> memref<256x32xf32, #tpu.memory_space<hbm>>
      %dma_start3A_23 = arith.constant 0 : i32
      %dma_start3A_24 = arith.constant 0 : i32
      %dma_start3A_25 = tpu.memref_slice %arg7[%arg1, %dma_start3A_23, %dma_start3A_24] : memref<16x256x32xf32, #tpu.memory_space<vmem_shared>> -> memref<1x256x32xf32, #tpu.memory_space<vmem_shared>>
      %dma_start3A_26 = tpu.memref_squeeze %dma_start3A_25 : memref<1x256x32xf32, #tpu.memory_space<vmem_shared>> -> memref<256x32xf32, #tpu.memory_space<vmem_shared>>
      tpu.enqueue_dma source(%dma_start3A_26 : memref<256x32xf32, #tpu.memory_space<vmem_shared>>) target(%dma_start3A_22 : memref<256x32xf32, #tpu.memory_space<hbm>>) target_semaphore(%run_scoped3A : memref<!tpu.dma_semaphore, #tpu.memory_space<semaphore_mem>>)
      %dma_wait3A_27 = arith.constant 0 : i32
      %dma_wait3A_28 = tpu.memref_slice %arg4[%add3A_21, %dma_wait3A_27] : memref<16384x32xf32, #tpu.memory_space<hbm>> -> memref<256x32xf32, #tpu.memory_space<hbm>>
      %dma_wait3A_29 = arith.constant 0 : i32
      %dma_wait3A_30 = arith.constant 0 : i32
      %dma_wait3A_31 = tpu.memref_slice %arg7[%arg1, %dma_wait3A_29, %dma_wait3A_30] : memref<16x256x32xf32, #tpu.memory_space<vmem_shared>> -> memref<1x256x32xf32, #tpu.memory_space<vmem_shared>>
      %dma_wait3A_32 = tpu.memref_squeeze %dma_wait3A_31 : memref<1x256x32xf32, #tpu.memory_space<vmem_shared>> -> memref<256x32xf32, #tpu.memory_space<vmem_shared>>
      tpu.wait_dma2 semaphore(%run_scoped3A : memref<!tpu.dma_semaphore, #tpu.memory_space<semaphore_mem>>) src(%dma_wait3A_32 : memref<256x32xf32, #tpu.memory_space<vmem_shared>>) dst(%dma_wait3A_28 : memref<256x32xf32, #tpu.memory_space<hbm>>)
      tpu.yield
    }) : () -> ()
    return
  }
}

</mosaic_0001>

<sc_bundles>
// kernel: kernel.3.cloned.1.call-start
scs
__scs_entry_jumppad:
0x0: {  	(pc) =	sbr.rel $0x88, $3  }
0x1: {  	(tag) =	ssettag $0x0;
	lr =	simm.s32 $0x1  }
0x2: {  	[smem:$0x3F9F] =	sst lr;
	_ =	strace $0xD0000000  }
0x3: {  	_ = 	snop  }
0x4: {  	_ = 	snop  }
0x5: {  	_ = 	snop  }
0x6: {  	_ = 	snop  }
0x7: {  	_ = 	snop  }
__scs_overlays_trampoline_lowered:
0x8: {  	[smem:$0x3FAE] =	sst s0  }
0x9: {  	[smem:$0x3FAF] =	sst s1  }
0xa: {  	[smem:$0x3FB0] =	sst s2  }
0xb: {  	[smem:$0x3FB1] =	sst s3  }
0xc: {  	[smem:$0x3FB2] =	sst s4  }
0xd: {  	[smem:$0x3FB3] =	sst s5  }
0xe: {  	[smem:$0x3FB4] =	sst s6  }
0xf: {  	[smem:$0x3FB5] =	sst s7  }
0x10: {  	[smem:$0x3FB6] =	sst s8  }
0x11: {  	[smem:$0x3FB7] =	sst s9;
	s0 =	simm.s32 @!p0 $0x0  }
0x12: {  	s1 =	sld [smem:$0x3F9D];
	s0 =	simm.s32 @p0 $0x1  }
0x13: {  	[smem:$0x3FB8] =	sst s0;
	s0 =	simm.s32 @!p1 $0x0  }
0x14: {  	s2 =	sld [smem:$0x3F9C];
	s0 =	simm.s32 @p1 $0x1  }
0x15: {  	[smem:$0x3FB9] =	sst s0;
	s0 =	simm.s32 @!p2 $0x0  }
0x16: {  	s3 =	sld [smem:$0x3FDB];
	s0 =	simm.s32 @p2 $0x1  }
0x17: {  	s4 =	simm.s32 $0x1BF5;
	[smem:$0x3FBB] =	sst s0  }
0x18: {  	s0 =	sld [smem:$0x3F9E];
	_ =	swait.ge [sflag:s4], $0x0  }
0x19: {  	s7 =	sld [smem:$0x3F9F]  }
0x1a: {  	s8 =	sadd.s32 $0xFFFFE003, lr  }
0x1b: {  	s9 =	sadd.s32 $0xFFFFFEF7, lr;
	s5 =	simm.s32 $0xFFFFFFFF;
	p2 =	slt.u32 s8, $0xFFFFF086  }
0x1c: {  	p1 =	slt.u32 s9, $0xF7A;
	s5 =	simm.s32 @!p2 $0x0  }
0x1d: {  	s5 =	simm.s32 @p1 $0x1;
	p0 =	seq.s32 s7, s2  }
0x1e: {  	s7 =	smul.u32 @!p0 $0xF7A, s2;
	p2 =	seq.s32 @!p0 s5, $0x0  }
0x1f: {  	s9 =	smul.u32 $0xF7A, s1;
	s8 =	simm.s32 @!p0 $0x1BF5;
	p2 =	por !p2, p0  }
0x20: {  	[sflag:s8] =	ssyncset.s32 @!p0 $0xFFFFF086;
	s6 =	sadd.s32 @!p0 s3, s7;
	s7 =	simm.s32 @!p0 $0x108  }
0x21: {  	s3 =	sadd.s32 s3, s9;
	s6 =	sadd.s32 @!p0 $0x88, s6;
	s7 =	simm.s32 @p2 $0x1082  }
0x22: {  	[simem:s7], [sflag:s8] =	dma.local @!p0 [hbm:s6], $0xF7A  }
0x23: {  	s9 =	sor.u32 $0xD0000000, s2;
	s6 =	simm.s32 $0x108;
	_ =	swait.ge @!p0 [sflag:s8], $0x0  }
0x24: {  	s3 =	sadd.s32 $0x88, s3;
	s6 =	simm.s32 @!p1 $0x1082;
	[sflag:s4] =	ssyncset.s32 $0xFFFFF086  }
0x25: {  	[simem:s6], [sflag:s4] =	dma.local [hbm:s3], $0xF7A  }
0x26: {  	[smem:$0x3F9F] =	sst s1;
	(tag) =	ssettag s2;
	_ =	strace s9  }
0x27: {  	s1 =	sld [smem:$0x3FAF]  }
0x28: {  	s2 =	sld [smem:$0x3FB0]  }
0x29: {  	s4 =	sld [smem:$0x3FB2]  }
0x2a: {  	p0 =	seq.s32 s5, $0x0;
	s5 =	sld [smem:$0x3FB3]  }
0x2b: {  	s6 =	sld [smem:$0x3FB4]  }
0x2c: {  	s7 =	sld [smem:$0x3FB5]  }
0x2d: {  	s3 =	simm.s32 $0x108;
	s8 =	sld [smem:$0x3FB6]  }
0x2e: {  	s3 =	simm.s32 @!p0 $0x1082;
	s9 =	sld [smem:$0x3FB7]  }
0x2f: {  	lr =	sadd.s32 s0, s3;
	s0 =	sld [smem:$0x3FAE]  }
0x30: {  	s3 =	sld [smem:$0x3FB1]  }
0x31: {  	[smem:$0x3FBA] =	sst s10  }
0x32: {  	s10 =	sld [smem:$0x3FB8];
	_ =	sdelay $0x3  }
0x33: {  	p0 =	seq.s32 s10, $0x1;
	s10 =	sld [smem:$0x3FBA];
	_ =	sdelay $0x3  }
0x34: {  	[smem:$0x3FBA] =	sst s10  }
0x35: {  	s10 =	sld [smem:$0x3FB9];
	_ =	sdelay $0x3  }
0x36: {  	p1 =	seq.s32 s10, $0x1;
	s10 =	sld [smem:$0x3FBA];
	_ =	sdelay $0x3  }
0x37: {  	[smem:$0x3FBA] =	sst s10  }
0x38: {  	s10 =	sld [smem:$0x3FBB]  }
0x39: {  	_ = 	snop;
	(pc) =	sbr.ind lr, $3  }
0x3a: {  	_ = 	snop  }
0x3b: {  	_ = 	snop  }
0x3c: {  	p2 =	seq.s32 s10, $0x1;
	s10 =	sld [smem:$0x3FBA]  }
0x3d: {  	_ =	shalt  }
0x3e: {  	_ =	shalt  }
0x3f: {  	_ =	shalt  }
0x40: {  	_ =	shalt  }
0x41: {  	_ =	shalt  }
0x42: {  	_ =	shalt  }
0x43: {  	_ =	shalt  }
0x44: {  	_ =	shalt  }
0x45: {  	_ =	shalt  }
0x46: {  	_ =	shalt  }
0x47: {  	_ =	shalt  }
0x48: {  	_ =	shalt  }
0x49: {  	_ =	shalt  }
0x4a: {  	_ =	shalt  }
0x4b: {  	_ =	shalt  }
0x4c: {  	_ =	shalt  }
0x4d: {  	_ =	shalt  }
0x4e: {  	_ =	shalt  }
0x4f: {  	_ =	shalt  }
0x50: {  	_ =	shalt  }
0x51: {  	_ =	shalt  }
0x52: {  	_ =	shalt  }
0x53: {  	_ =	shalt  }
0x54: {  	_ =	shalt  }
0x55: {  	_ =	shalt  }
0x56: {  	_ =	shalt  }
0x57: {  	_ =	shalt  }
0x58: {  	_ =	shalt  }
0x59: {  	_ =	shalt  }
0x5a: {  	_ =	shalt  }
0x5b: {  	_ =	shalt  }
0x5c: {  	_ =	shalt  }
0x5d: {  	_ =	shalt  }
0x5e: {  	_ =	shalt  }
0x5f: {  	_ =	shalt  }
0x60: {  	_ =	shalt  }
0x61: {  	_ =	shalt  }
0x62: {  	_ =	shalt  }
0x63: {  	_ =	shalt  }
0x64: {  	_ =	shalt  }
0x65: {  	_ =	shalt  }
0x66: {  	_ =	shalt  }
0x67: {  	_ =	shalt  }
0x68: {  	_ =	shalt  }
0x69: {  	_ =	shalt  }
0x6a: {  	_ =	shalt  }
0x6b: {  	_ =	shalt  }
0x6c: {  	_ =	shalt  }
0x6d: {  	_ =	shalt  }
0x6e: {  	_ =	shalt  }
0x6f: {  	_ =	shalt  }
0x70: {  	_ =	shalt  }
0x71: {  	_ =	shalt  }
0x72: {  	_ =	shalt  }
0x73: {  	_ =	shalt  }
0x74: {  	_ =	shalt  }
0x75: {  	_ =	shalt  }
0x76: {  	_ =	shalt  }
0x77: {  	_ =	shalt  }
0x78: {  	_ =	shalt  }
0x79: {  	_ =	shalt  }
0x7a: {  	_ =	shalt  }
0x7b: {  	_ =	shalt  }
0x7c: {  	_ =	shalt  }
0x7d: {  	_ =	shalt  }
0x7e: {  	_ =	shalt  }
0x7f: {  	_ =	shalt  }
0x80: {  	_ =	shalt  }
0x81: {  	_ =	shalt  }
0x82: {  	_ =	shalt  }
0x83: {  	_ =	shalt  }
0x84: {  	_ =	shalt  }
0x85: {  	_ =	shalt  }
0x86: {  	_ =	shalt  }
0x87: {  	_ =	shalt  }
.Lfunc_end0:
.L_simem_size_0:
called_computation_lowered:
.L_overlay_start_0:
0x88: {  	s2 =	sld [smem:$0x3FD9]  }
0x89: {  	s3 =	sld [smem:$0x3FFE];
	_ =	sdelay $0x1  }
0x8a: {  	s1 =	srdreg.scid  }
0x8b: {  	s0 =	sand.u32 $0x1, s1  }
0x8c: {  	s17 =	sshll.u32 s0, $0xA;
	s2 =	sadd.s32 s3, s2  }
0x8d: {  	s2 =	sadd.s32 s2, s17  }
0x8e: {  	[smem:$0x3FC6] =	sst s2  }
0x8f: {  	_ = 	snop  }
0x90: {  	s2 =	sld [smem:$0x3FC9];
	(tm) =	ssettm $0x1  }
0x91: {  	s18 =	sld [smem:$0x3FFB];
	_ =	sdelay $0x3  }
0x92: {  	_ =	strace s18  }
0x93: {  	s3 =	sld [smem:$0x3FFC];
	_ =	sdelay $0x3  }
0x94: {  	_ =	strace s3  }
0x95: {  	s3 =	sld [smem:$0x3FFD];
	_ =	sdelay $0x3  }
0x96: {  	_ =	strace s3  }
0x97: {  	_ =	strace $0x8FFFFFFF  }
0x98: {  	s19 =	sld [smem:$0x3FDB];
	_ =	sdelay $0x1  }
0x99: {  	s4 =	simm.s32 $_scs_section_size  }
0x9a: {  	s5 =	simm.s32 $_size__tile_overlayer_lowered;
	s6 =	simm.s32 $_tile_overlayer_lowered  }
0x9b: {  	s22 =	simm.s32 $0x1BFF;
	s21 =	sshll.u32 s6, $0x1;
	s3 =	sadd.s32 s4, s19  }
0x9c: {  	s7 =	simm.s32 $0x0;
	s20 =	sshll.u32 s5, $0x1;
	s5 =	sadd.s32 s21, s3  }
0x9d: {  	[timem:s7], [sflag:s22] =	dma.local [hbm:s5], s20  }
0x9e: {  	_ =	swait.ge [sflag:s22], s20  }
0x9f: {  	s4 =	ssub.s32 $0x0, s20;
	[sflag:s22] =	ssyncset.done $0x0  }
0xa0: {  	[sflag:s22] =	ssyncadd.s32 s4;
	_ =	sdelay $0x1  }
0xa1: {  	s23 =	simm.s32 $0x1B8B  }
0xa2: {  	_ =	swait.ge [sflag:s23], $0x1  }
0xa3: {  	[sflag:s23] =	ssyncset.done $0x0  }
0xa4: {  	s25 =	simm.s32 $0x1B8E;
	s24 =	sld [smem:$0x3FFE];
	[sflag:s23] =	ssyncadd.s32 $0xFFFFFFFF  }
0xa5: {  	s26 =	simm.s32 $execute0_lowered;
	[smem:$0x3FD2] =	sst s25  }
0xa6: {  	s5 =	sshll.u32 s26, $0x1;
	_ =	strace $0x80000046;
	[dreg:$0x1] =	wrdreg $0xFFFFFFFF  }
0xa7: {  	s28 =	simm.s32 $_size_execute0_lowered;
	s3 =	sadd.s32 s3, s5;
	[dreg:$0x0] =	wrdreg $0x0  }
0xa8: {  	s5 =	sshll.u32 s28, $0x1;
	[dreg:$0x2] =	wrdreg s3  }
0xa9: {  	[dreg:$0x3] =	wrdreg s5  }
0xaa: {  	[dreg:$0x4] =	wrdreg $0xC0  }
0xab: {  	_ =	task [dreg:s7], $0x5FFFF  }
0xac: {  	[dreg:$0x1] =	wrdreg $0xFFFFFFFF  }
0xad: {  	[dreg:$0x0] =	wrdreg $0x60  }
0xae: {  	[dreg:$0x2] =	wrdreg s2  }
0xaf: {  	[dreg:$0x3] =	wrdreg s24  }
0xb0: {  	[dreg:$0x4] =	wrdreg $0x82000  }
0xb1: {  	[dreg:$0x5] =	wrdreg $0x9  }
0xb2: {  	_ =	task.clear_ibuf [dreg:s7], $0x6FFFF;
	_ =	strace $0x90000046  }
0xb3: {  	s29 =	simm.s32 $0x9;
	_ =	strace $0x80000048  }
0xb4: {  	_ =	swait.ge [sflag:s29], $0x1  }
0xb5: {  	[sflag:s29] =	ssyncadd.s32 $0xFFFFFFFF  }
0xb6: {  	_ =	strace $0x90000048  }
0xb7: {  	_ =	sfence  }
0xb8: {  	s30 =	sld [smem:$0x0];
	_ =	sdelay $0x2  }
0xb9: {  	s31 =	sshll.u32 s1, $0xD;
	s1 =	sshrl.u32 s1, $0x2  }
0xba: {  	s3 =	sand.u32 $0x4000, s31;
	s1 =	sadd.s32 s1, s30  }
0xbb: {  	s0 =	sor.u32 s3, s0;
	s1 =	sshll.u32 s1, $0x11  }
0xbc: {  	s0 =	sor.u32 s1, s0  }
0xbd: {  	s0 =	sadd.s32 $0x8F2B, s0  }
0xbe: {  	[sflag:s0] =	ssyncadd.remote.s32 $0x1  }
0xbf: {  	_ =	sfence.sel $0xFFFF  }
0xc0: {  	[dreg:$0x0] =	wrdreg $0xFFFFFFFF;
	(pc) =	sbr.abs _section_cstart, $3  }
0xc1: {  	[dreg:$0x1] =	wrdreg $0xFFFFFFFF  }
0xc2: {  	_ =	task.clear_ibuf [dreg:s7], $0x2FFFF;
	_ =	strace $0x9FFFFFFF  }
0xc3: {  	(tm) =	ssettm $0x7FFFFFFF  }
tec
execute0_lowered:
.L_overlay_start_1:
0x0: {  	(tag) =	ssettag $0x1  }
0x1: {  	s0 =	rddreg [dreg:$0x0]  }
0x2: {  	s1 =	rddreg [dreg:$0x1]  }
0x3: {  	s2 =	rddreg [dreg:$0x2]  }
0x4: {  	s3 =	srdreg.scid;
	s8 =	stileid.u32  }
0x5: {  	s6 =	simm.s32 $0x0;
	s4 =	sand.u32 $0x1, s3;
	s22 =	sshll.u32 s8, $0xA  }
0x6: {  	[smem:$0x7FF] =	sst s6;
	s3 =	sadd.s32 $0x400, s1;
	s7 =	sshll.u32 s8, $0xF  }
0x7: {  	s5 =	sshll.u32 s4, $0x9;
	_ =	strace $0x80000047;
	s4 =	ssub.s32 $0x2, s4  }
0x8: {  	s29 =	sadd.s32 s7, s2;
	s5 =	sor.u32 s5, s22;
	s24 =	sshrl.u32 s4, $0x1  }
0x9: {  	s31 =	sshrl.u32 s29, $0x3;
	s23 =	sshll.u32 s5, $0x4;
	s5 =	sshrl.u32 s5, $0x3  }
0xa: {  	s4 =	ssub.s32 s4, s24;
	[smem:$0x7FD] =	sst s31;
	s0 =	sadd.s32 s0, s5  }
0xb: {  	s1 =	sadd.s32 s23, s1;
	s30 =	smax.u32 s4, $0x1;
	[smem:$0x7F8] =	sst s0  }
0xc: {  	s25 =	sadd.s32 $0xF42800, s1;
	[smem:$0x7FB] =	sst s30  }
0xd: {  	s28 =	sshll.u32 s8, $0x6;
	s26 =	sadd.s32 $0xF43800, s1;
	[smem:$0x7F9] =	sst s25  }
0xe: {  	s10 =	sor.u32 $0x1C02, s28;
	s0 =	sor.u32 $0x1C03, s28;
	[smem:$0x7FA] =	sst s26  }
0xf: {  	s2 =	simm.s32 $0x0;
	s1 =	simm.s32 $0x3;
	[smem:$0x7FC] =	sst s0  }
.LBB2_1:
0x10: {  	s0 =	sld [smem:$0x7F8];
	_ =	sdelay $0x1  }
0x11: {  	[smem:$0x7F7] =	sst s2;
	s28 =	simm.s32 $0x0  }
0x12: {  	[tilespmem:s28], [sflag:$0x3] =	stream.linear.gather [hbm4b:s0+s28], $0x200, $0x38;
	[tilespmem:$0xA200] =	vst v63  }
0x13: {  	_ =	swait.ge [sflag:s1], $0x200  }
0x14: {  	[sflag:s1] =	ssyncset.done $0x0  }
0x15: {  	[sflag:s1] =	ssyncadd.s32 $0xFFFFFE00  }
0x16: {  	v0 =	vld [tilespmem:s28+$0x0];
	_ =	sdelay $0x4  }
0x17: {  	v0 =	vshll.u32 v0, $0x4  }
0x18: {  	(v2sf) =	vpush v0, $0xF  }
0x19: {  	(v2sf) =	vpush v0, $0x1  }
0x1a: {  	(v2sf) =	vpush v0, $0x9  }
0x1b: {  	(v2sf) =	vpush v0, $0xE  }
0x1c: {  	(v2sf) =	vpush v0, $0x4  }
0x1d: {  	(v2sf) =	vpush v0, $0xA  }
0x1e: {  	s24 =	sand.u32 $0xF0, s28;
	(v2sf) =	vpush v0, $0x6  }
0x1f: {  	v1 =	vld [tilespmem:s24+$0x100];
	(v2sf) =	vpush v0, $0x7  }
0x20: {  	(v2sf) =	vpush v0, $0x5  }
0x21: {  	(v2sf) =	vpush v0, $0x2  }
0x22: {  	(v2sf) =	vpush v0, $0x0  }
0x23: {  	(v2sf) =	vpush v0, $0x3  }
0x24: {  	v1 =	vshll.u32 v1, $0x4;
	(v2sf) =	vpush v0, $0xC  }
0x25: {  	(v2sf) =	vpush v1, $0xC;
	_ =	sdelay $0x1  }
0x26: {  	(v2sf) =	vpush v1, $0xB;
	s30 =	spop (v2sf)  }
0x27: {  	(v2sf) =	vpush v1, $0xD;
	s2 =	spop (v2sf)  }
0x28: {  	(v2sf) =	vpush v1, $0x2;
	s21 =	spop (v2sf)  }
0x29: {  	(v2sf) =	vpush v1, $0x6;
	s5 =	spop (v2sf)  }
0x2a: {  	(v2sf) =	vpush v1, $0x9;
	s12 =	spop (v2sf)  }
0x2b: {  	(v2sf) =	vpush v1, $0x1;
	s9 =	spop (v2sf)  }
0x2c: {  	(v2sf) =	vpush v1, $0x7;
	s4 =	spop (v2sf)  }
0x2d: {  	(v2sf) =	vpush v1, $0x3;
	s1 =	spop (v2sf)  }
0x2e: {  	(v2sf) =	vpush v1, $0x0;
	s11 =	spop (v2sf)  }
0x2f: {  	(v2sf) =	vpush v1, $0x4;
	s14 =	spop (v2sf)  }
0x30: {  	s7 =	simm.s32 $0x200;
	(v2sf) =	vpush v1, $0x5;
	s6 =	spop (v2sf)  }
0x31: {  	s31 =	simm.s32 $0x800;
	s0 =	simm.s32 $0x280;
	s16 =	spop (v2sf)  }
0x32: {  	s2 =	sand.u32 $0x1FFFFFF0, s2;
	s6 =	sand.u32 $0x1FFFFFF0, s6;
	s15 =	spop (v2sf)  }
0x33: {  	s12 =	sand.u32 $0x1FFFFFF0, s12;
	s6 =	sadd.s32 s3, s6;
	s25 =	spop (v2sf)  }
0x34: {  	[tilespmem:s7], [sflag:$0x1] =	stream.linear.gather [hbm4b:s6+s28], $0x80, $0x38;
	[tilespmem:$0xA200] =	vst v63  }
0x35: {  	s2 =	sadd.s32 s3, s2;
	s12 =	sadd.s32 s3, s12;
	s26 =	spop (v2sf)  }
0x36: {  	s9 =	sand.u32 $0x1FFFFFF0, s9;
	s4 =	sand.u32 $0x1FFFFFF0, s4;
	s13 =	spop (v2sf)  }
0x37: {  	s4 =	sadd.s32 s3, s4;
	s1 =	sand.u32 $0x1FFFFFF0, s1;
	s18 =	spop (v2sf)  }
0x38: {  	s11 =	sand.u32 $0x1FFFFFF0, s11;
	s1 =	sadd.s32 s3, s1;
	(v2sf) =	vpush v0, $0x8;
	s7 =	spop (v2sf)  }
0x39: {  	s14 =	sand.u32 $0x1FFFFFF0, s14;
	s11 =	sadd.s32 s3, s11;
	s8 =	spop (v2sf);
	(v2sf) =	vpush v1, $0xA  }
0x3a: {  	s14 =	sadd.s32 s3, s14;
	s16 =	sand.u32 $0x1FFFFFF0, s16;
	s19 =	spop (v2sf)  }
0x3b: {  	s6 =	sadd.s32 $0x0, s29;
	s16 =	sadd.s32 s3, s16;
	s17 =	spop (v2sf)  }
0x3c: {  	[dreg:$0x9] =	wrdreg s25;
	s23 =	sshrl.u32 s6, $0x3;
	s22 =	spop (v2sf)  }
0x3d: {  	[dreg:$0xb] =	wrdreg s26;
	s26 =	simm.s32 $0x300;
	s20 =	spop (v2sf)  }
0x3e: {  	s7 =	sand.u32 $0x1FFFFFF0, s7;
	s20 =	sand.u32 $0x1FFFFFF0, s20;
	s24 =	spop (v2sf)  }
0x3f: {  	s19 =	sand.u32 $0x1FFFFFF0, s19;
	s20 =	sadd.s32 s3, s20;
	s25 =	spop (v2sf)  }
0x40: {  	[spmem:s23], [sflag:s10] =	dma.local [hbm:s20], $0x10  }
0x41: {  	s7 =	sadd.s32 s3, s7;
	s19 =	sadd.s32 s3, s19;
	s23 =	sadd.s32 $0x80, s6  }
0x42: {  	[tilespmem:s0], [sflag:$0x1] =	stream.linear.gather [hbm4b:s2+s28], $0x80, $0x38;
	[tilespmem:$0xA200] =	vst v63  }
0x43: {  	s17 =	sand.u32 $0x1FFFFFF0, s17;
	s22 =	sand.u32 $0x1FFFFFF0, s22;
	s2 =	sshrl.u32 s23, $0x3;
	(v2sf) =	vpush v1, $0x8  }
0x44: {  	[spmem:s2], [sflag:s10] =	dma.local [hbm:s19], $0x10  }
0x45: {  	s22 =	sadd.s32 s3, s22;
	s0 =	sadd.s32 $0x100, s6;
	s19 =	sand.u32 $0x1FFFFFF0, s18  }
0x46: {  	[tilespmem:s26], [sflag:$0x1] =	stream.linear.gather [hbm4b:s14+s28], $0x80, $0x38;
	[tilespmem:$0xA200] =	vst v63  }
0x47: {  	s23 =	sshrl.u32 s0, $0x3;
	s18 =	simm.s32 $0x0;
	s20 =	spop (v2sf)  }
0x48: {  	s0 =	simm.s32 $0x400;
	s14 =	sadd.s32 s3, s19;
	(v2sf) =	vpush v1, $0xE;
	s2 =	spop (v2sf)  }
0x49: {  	[spmem:s23], [sflag:s10] =	dma.local [hbm:s14], $0x10  }
0x4a: {  	s19 =	simm.s32 $0x2000;
	s26 =	simm.s32 $0x380;
	s23 =	sadd.s32 $0x180, s6  }
0x4b: {  	[tilespmem:s26], [sflag:$0x1] =	stream.linear.gather [hbm4b:s16+s28], $0x80, $0x38;
	[tilespmem:$0xA200] =	vst v63  }
0x4c: {  	s14 =	simm.s32 $0x500;
	s16 =	sshrl.u32 s23, $0x3;
	(v2sf) =	vpush v0, $0xB;
	s26 =	simm.s32 $0x700  }
0x4d: {  	[spmem:s16], [sflag:s10] =	dma.local [hbm:s22], $0x10  }
0x4e: {  	s23 =	sand.u32 $0x1FFFFFF0, s24;
	s24 =	sadd.s32 $0x680, s6;
	[dreg:$0x5] =	wrdreg s26  }
0x4f: {  	[tilespmem:s0], [sflag:$0x1] =	stream.linear.gather [hbm4b:s12+s28], $0x80, $0x38;
	[tilespmem:$0xA200] =	vst v63  }
0x50: {  	s22 =	sadd.s32 $0x200, s6;
	s26 =	sadd.s32 $0x280, s6;
	s0 =	simm.s32 $0x480  }
0x51: {  	s16 =	sshrl.u32 s22, $0x3;
	s22 =	sadd.s32 s3, s23;
	s12 =	sshrl.u32 s24, $0x3  }
0x52: {  	(v2sf) =	vpush v0, $0xD;
	s23 =	sand.u32 $0x1FFFFFF0, s25;
	s24 =	sadd.s32 $0x300, s6;
	s25 =	sadd.s32 $0x780, s6  }
0x53: {  	[spmem:s16], [sflag:s10] =	dma.local [hbm:s22], $0x10  }
0x54: {  	[dreg:$0x4] =	wrdreg s12;
	s22 =	sshrl.u32 s26, $0x3;
	s16 =	sadd.s32 s3, s23  }
0x55: {  	[tilespmem:s0], [sflag:$0x1] =	stream.linear.gather [hbm4b:s11+s28], $0x80, $0x38;
	[tilespmem:$0xA200] =	vst v63  }
0x56: {  	s12 =	sshrl.u32 s24, $0x3;
	(v2sf) =	vpush v1, $0xF;
	s0 =	sadd.s32 $0x600, s6;
	s26 =	spop (v2sf)  }
0x57: {  	[spmem:s22], [sflag:s10] =	dma.local [hbm:s16], $0x10  }
0x58: {  	s23 =	sadd.s32 $0x580, s6;
	s24 =	sadd.s32 $0x500, s6;
	s16 =	sshrl.u32 s0, $0x3  }
0x59: {  	[tilespmem:s14], [sflag:$0x1] =	stream.linear.gather [hbm4b:s4+s28], $0x80, $0x38;
	[tilespmem:$0xA200] =	vst v63  }
0x5a: {  	[spmem:s12], [sflag:s10] =	dma.local [hbm:s7], $0x10  }
0x5b: {  	s11 =	simm.s32 $0x580;
	s22 =	sadd.s32 $0x700, s6;
	[dreg:$0x7] =	wrdreg s16  }
0x5c: {  	s14 =	sadd.s32 $0x400, s6;
	s12 =	sadd.s32 $0x380, s6;
	[dreg:$0xd] =	wrdreg s23  }
0x5d: {  	[dreg:$0xf] =	wrdreg s24;
	s4 =	sshrl.u32 s14, $0x3;
	s7 =	sand.u32 $0x1FFFFFF0, s21  }
0x5e: {  	[dreg:$0x17] =	wrdreg s9;
	s16 =	sand.u32 $0x1FFFFFF0, s15;
	s9 =	sand.u32 $0x1FFFFFF0, s8  }
0x5f: {  	s14 =	sand.u32 $0x1FFFFFF0, s20;
	s15 =	sshrl.u32 s22, $0x3;
	s22 =	sand.u32 $0x1FFFFFF0, s2  }
0x60: {  	s23 =	sand.u32 $0x1FFFFFF0, s13;
	s2 =	sadd.s32 s3, s17;
	s17 =	simm.s32 $0x780  }
0x61: {  	[tilespmem:s11], [sflag:$0x1] =	stream.linear.gather [hbm4b:s1+s28], $0x80, $0x38;
	[tilespmem:$0xA200] =	vst v63  }
0x62: {  	s20 =	simm.s32 $0x680;
	s13 =	simm.s32 $0x10;
	[dreg:$0x11] =	wrdreg s4  }
0x63: {  	s21 =	simm.s32 $0x900;
	s24 =	simm.s32 $0x880;
	[dreg:$0x8] =	wrdreg s17  }
0x64: {  	s11 =	sadd.s32 $0x480, s6;
	s1 =	sshrl.u32 s12, $0x3;
	[dreg:$0xe] =	wrdreg s20  }
0x65: {  	s12 =	sadd.s32 s3, s7;
	s28 =	sadd.s32 s3, s14;
	[dreg:$0xa] =	wrdreg s21  }
0x66: {  	s17 =	simm.s32 $0x600;
	[dreg:$0xc] =	wrdreg s24;
	s6 =	sshrl.u32 s11, $0x3  }
0x67: {  	s11 =	sand.u32 $0x1FFFFFF0, s5;
	[dreg:$0x10] =	wrdreg s6;
	s6 =	simm.s32 $0x10  }
.LBB2_2:
0x68: {  	s0 =	rddreg [dreg:$0xb]  }
0x69: {  	s14 =	sadd.s32 s3, s11;
	s20 =	spop (v2sf);
	s24 =	simm.s32 $0x0  }
0x6a: {  	s4 =	sand.u32 $0x1FFFFFF0, s26;
	s16 =	sadd.s32 s3, s16;
	s9 =	sadd.s32 s3, s9  }
0x6b: {  	[spmem:s1], [sflag:s10] =	dma.local [hbm:s2], $0x10  }
0x6c: {  	[tilespmem:s17], [sflag:$0x1] =	stream.linear.gather [hbm4b:s28+s24], $0x80, $0x38;
	[tilespmem:$0xA200] =	vst v63  }
0x6d: {  	s22 =	sadd.s32 s3, s22;
	s2 =	sadd.s32 s3, s4;
	s5 =	rddreg [dreg:$0x9]  }
0x6e: {  	s21 =	spop (v2sf);
	s4 =	rddreg [dreg:$0xd];
	s7 =	sand.u32 $0x1FFFFFF0, s5  }
0x6f: {  	s17 =	sand.u32 $0x1FFFFFF0, s21;
	s21 =	sadd.s32 s3, s23;
	s23 =	rddreg [dreg:$0x17]  }
0x70: {  	s26 =	spop (v2sf);
	s11 =	sadd.s32 s3, s7;
	s7 =	rddreg [dreg:$0x11]  }
0x71: {  	[spmem:s7], [sflag:s10] =	dma.local [hbm:s2], $0x10  }
0x72: {  	s8 =	sand.u32 $0x1FFFFFF0, s0;
	s20 =	sand.u32 $0x1FFFFFF0, s20;
	s0 =	rddreg [dreg:$0xf]  }
0x73: {  	s1 =	sshrl.u32 s4, $0x3;
	s5 =	sadd.s32 s3, s23;
	s23 =	rddreg [dreg:$0xe]  }
0x74: {  	s4 =	sand.u32 $0x1FFFFFF0, s26;
	s7 =	spop (v2sf);
	s26 =	rddreg [dreg:$0x10]  }
0x75: {  	[tilespmem:s23], [sflag:$0x1] =	stream.linear.gather [hbm4b:s12+s24], $0x80, $0x38;
	[tilespmem:$0xA200] =	vst v63  }
0x76: {  	[spmem:s26], [sflag:s10] =	dma.local [hbm:s9], $0x10  }
0x77: {  	s8 =	sadd.s32 s3, s8;
	s2 =	sshrl.u32 s0, $0x3;
	s0 =	rddreg [dreg:$0x5]  }
0x78: {  	[tilespmem:s0], [sflag:$0x1] =	stream.linear.gather [hbm4b:s5+s24], $0x80, $0x38;
	[tilespmem:$0xA200] =	vst v63  }
0x79: {  	[spmem:s2], [sflag:s10] =	dma.local [hbm:s22], $0x10  }
0x7a: {  	s20 =	sadd.s32 s3, s20;
	s17 =	sadd.s32 s3, s17;
	s12 =	rddreg [dreg:$0x8]  }
0x7b: {  	[tilespmem:s12], [sflag:$0x1] =	stream.linear.gather [hbm4b:s17+s24], $0x80, $0x38;
	[tilespmem:$0xA200] =	vst v63  }
0x7c: {  	[spmem:s1], [sflag:s10] =	dma.local [hbm:s8], $0x10  }
0x7d: {  	[tilespmem:s31], [sflag:$0x1] =	stream.linear.gather [hbm4b:s16+s24], $0x80, $0x38;
	[tilespmem:$0xA200] =	vst v63  }
0x7e: {  	s4 =	sadd.s32 s3, s4;
	s7 =	sand.u32 $0x1FFFFFF0, s7;
	s17 =	rddreg [dreg:$0x7]  }
0x7f: {  	[spmem:s17], [sflag:s10] =	dma.local [hbm:s11], $0x10  }
0x80: {  	s23 =	sadd.s32 s3, s7;
	s22 =	sand.u32 $0x1FFFFFF0, s30;
	s0 =	rddreg [dreg:$0xc]  }
0x81: {  	s7 =	smov.u32 s19;
	s2 =	sadd.s32 s3, s22;
	s26 =	rddreg [dreg:$0x4]  }
0x82: {  	[tilespmem:s0], [sflag:$0x1] =	stream.linear.gather [hbm4b:s4+s24], $0x80, $0x38;
	[tilespmem:$0xA200] =	vst v63  }
0x83: {  	[spmem:s26], [sflag:s10] =	dma.local [hbm:s21], $0x10  }
0x84: {  	s1 =	sadd.s32 $0x980, s18;
	s4 =	sshrl.u32 s25, $0x3;
	s0 =	rddreg [dreg:$0xa]  }
0x85: {  	[tilespmem:s0], [sflag:$0x1] =	stream.linear.gather [hbm4b:s14+s24], $0x80, $0x38;
	[tilespmem:$0xA200] =	vst v63  }
0x86: {  	[spmem:s15], [sflag:s10] =	dma.local [hbm:s20], $0x10  }
0x87: {  	[tilespmem:s1], [sflag:$0x1] =	stream.linear.gather [hbm4b:s2+s24], $0x80, $0x38;
	[tilespmem:$0xA200] =	vst v63  }
0x88: {  	[spmem:s4], [sflag:s10] =	dma.local [hbm:s23], $0x10  }
0x89: {  	s18 =	sshra.s32 s7, $0x2;
	v0 =	vld [tilespmem:s6+$0x0]  }
0x8a: {  	s9 =	sadd.s32 $0x800, s18  }
0x8b: {  	s11 =	sadd.s32 $0x380, s18;
	[dreg:$0x18] =	wrdreg s9  }
0x8c: {  	s12 =	sadd.s32 $0x700, s18;
	[dreg:$0x16] =	wrdreg s11  }
0x8d: {  	s14 =	sadd.s32 $0x400, s18;
	[dreg:$0x5] =	wrdreg s12  }
0x8e: {  	s15 =	sadd.s32 $0x480, s18;
	[dreg:$0x15] =	wrdreg s14;
	v0 =	vshll.u32 v0, $0x4  }
0x8f: {  	p0 =	sne.s32 s19, $0x1E000;
	s16 =	sadd.s32 $0x780, s18;
	[dreg:$0x14] =	wrdreg s15;
	(v2sf) =	vpush v0, $0xF  }
0x90: {  	s8 =	sand.u32 $0xF0, s13;
	s17 =	sadd.s32 $0x500, s18;
	[dreg:$0x8] =	wrdreg s16;
	(v2sf) =	vpush v0, $0x1  }
0x91: {  	s25 =	sadd.s32 $0x2000, s19;
	s19 =	sadd.s32 $0x580, s18;
	[dreg:$0x13] =	wrdreg s17;
	(v2sf) =	vpush v0, $0x9  }
0x92: {  	s13 =	sadd.s32 $0x10, s13;
	[dreg:$0x12] =	wrdreg s19;
	s12 =	sadd.s32 $0x10, s6;
	(v2sf) =	vpush v0, $0xE  }
0x93: {  	s28 =	sadd.s32 $0x300, s18;
	s17 =	sadd.s32 $0x680, s18;
	[dreg:$0x6] =	wrdreg s12;
	(v2sf) =	vpush v0, $0x4  }
0x94: {  	s9 =	sadd.s32 $0x200, s18;
	v1 =	vld [tilespmem:s8+$0x100];
	s8 =	sadd.s32 s18, s29;
	[dreg:$0xe] =	wrdreg s17;
	(v2sf) =	vpush v0, $0xA  }
0x95: {  	s20 =	sshrl.u32 s8, $0x3;
	s23 =	sadd.s32 $0x80, s8;
	s21 =	sadd.s32 $0x680, s8;
	(v2sf) =	vpush v0, $0x6  }
0x96: {  	s22 =	sadd.s32 $0x180, s8;
	s26 =	sadd.s32 $0x700, s8;
	s1 =	sadd.s32 $0x300, s8;
	(v2sf) =	vpush v0, $0x7  }
0x97: {  	s4 =	sadd.s32 $0x600, s8;
	s5 =	sadd.s32 $0x780, s8;
	[dreg:$0x1e] =	wrdreg s20;
	(v2sf) =	vpush v0, $0x5  }
0x98: {  	s7 =	sadd.s32 $0x380, s8;
	s11 =	sadd.s32 $0x400, s8;
	[dreg:$0x1d] =	wrdreg s26;
	(v2sf) =	vpush v0, $0x2  }
0x99: {  	s6 =	sadd.s32 $0x480, s8;
	s0 =	sshrl.u32 s21, $0x3;
	[dreg:$0x1a] =	wrdreg s5;
	(v2sf) =	vpush v0, $0x0  }
0x9a: {  	s16 =	sadd.s32 $0x280, s8;
	s14 =	sshrl.u32 s4, $0x3;
	[dreg:$0x4] =	wrdreg s0;
	(v2sf) =	vpush v0, $0x3  }
0x9b: {  	s30 =	sadd.s32 $0x100, s8;
	s19 =	sshrl.u32 s7, $0x3;
	[dreg:$0x7] =	wrdreg s14;
	v1 =	vshll.u32 v1, $0x4;
	(v2sf) =	vpush v0, $0xC  }
0x9c: {  	s20 =	sadd.s32 $0x900, s18;
	s26 =	sadd.s32 $0x580, s8;
	[dreg:$0x1c] =	wrdreg s19;
	(v2sf) =	vpush v1, $0xC  }
0x9d: {  	s4 =	sadd.s32 $0x880, s18;
	s11 =	sshrl.u32 s11, $0x3;
	[dreg:$0xa] =	wrdreg s20  }
0x9e: {  	s23 =	sshrl.u32 s23, $0x3;
	[dreg:$0xd] =	wrdreg s26;
	(v2sf) =	vpush v1, $0xB;
	s15 =	spop (v2sf)  }
0x9f: {  	s0 =	sshrl.u32 s1, $0x3;
	[dreg:$0xc] =	wrdreg s4;
	(v2sf) =	vpush v1, $0xD;
	s2 =	spop (v2sf)  }
0xa0: {  	s1 =	sadd.s32 $0x500, s8;
	[dreg:$0x11] =	wrdreg s11;
	(v2sf) =	vpush v1, $0x2;
	s12 =	spop (v2sf)  }
0xa1: {  	s8 =	sadd.s32 $0x200, s8;
	[dreg:$0x19] =	wrdreg s0;
	(v2sf) =	vpush v1, $0x6;
	s21 =	spop (v2sf)  }
0xa2: {  	s0 =	sshrl.u32 s16, $0x3;
	[dreg:$0xf] =	wrdreg s1;
	s16 =	spop (v2sf);
	(v2sf) =	vpush v1, $0x9  }
0xa3: {  	s11 =	sshrl.u32 s8, $0x3;
	[dreg:$0x1b] =	wrdreg s0;
	(v2sf) =	vpush v1, $0x1;
	s7 =	spop (v2sf)  }
0xa4: {  	s8 =	smov.u32 s29;
	[smem:$0x7F5] =	sst s11;
	s19 =	spop (v2sf);
	(v2sf) =	vpush v1, $0x7  }
0xa5: {  	[smem:$0x7F3] =	sst s15;
	s5 =	sand.u32 $0x1FFFFFF0, s19;
	(v2sf) =	vpush v1, $0x3;
	s26 =	spop (v2sf)  }
0xa6: {  	s15 =	sshrl.u32 s6, $0x3;
	s1 =	sadd.s32 s3, s5;
	(v2sf) =	vpush v1, $0x0;
	s5 =	spop (v2sf)  }
0xa7: {  	[dreg:$0x10] =	wrdreg s15;
	s21 =	sand.u32 $0x1FFFFFF0, s21;
	s6 =	spop (v2sf)  }
0xa8: {  	[smem:$0x7F4] =	sst s21;
	s4 =	sand.u32 $0x1FFFFFF0, s7;
	(v2sf) =	vpush v1, $0x4;
	s7 =	spop (v2sf)  }
0xa9: {  	[dreg:$0x17] =	wrdreg s4;
	s21 =	sand.u32 $0x1FFFFFF0, s26;
	(v2sf) =	vpush v1, $0x5;
	s14 =	spop (v2sf)  }
0xaa: {  	[dreg:$0x1f] =	wrdreg s1;
	s0 =	sand.u32 $0x1FFFFFF0, s7;
	s19 =	spop (v2sf)  }
0xab: {  	s29 =	sand.u32 $0x1FFFFFF0, s5;
	s0 =	sadd.s32 s3, s0;
	s26 =	spop (v2sf)  }
0xac: {  	[tilespmem:s9], [sflag:$0x1] =	stream.linear.gather [hbm4b:s0+s24], $0x80, $0x38;
	[tilespmem:$0xA200] =	vst v63  }
0xad: {  	s15 =	sadd.s32 s3, s21;
	s1 =	sadd.s32 $0x280, s18;
	s5 =	spop (v2sf)  }
0xae: {  	s31 =	sand.u32 $0x1FFFFFF0, s6;
	s6 =	sand.u32 $0x1FFFFFF0, s2;
	s2 =	spop (v2sf)  }
0xaf: {  	[smem:$0x7F6] =	sst s15;
	s0 =	sshrl.u32 s30, $0x3;
	(v2sf) =	vpush v0, $0x8;
	s30 =	spop (v2sf)  }
0xb0: {  	s7 =	sand.u32 $0x1FFFFFF0, s16;
	s31 =	sadd.s32 s3, s31;
	s4 =	spop (v2sf)  }
0xb1: {  	s20 =	sand.u32 $0x1FFFFFF0, s14;
	s16 =	sand.u32 $0x1FFFFFF0, s19;
	(v2sf) =	vpush v1, $0xA;
	s11 =	spop (v2sf)  }
0xb2: {  	[dreg:$0x9] =	wrdreg s26;
	s26 =	smov.u32 s13;
	s14 =	spop (v2sf)  }
0xb3: {  	s13 =	sadd.s32 s3, s6;
	s6 =	sadd.s32 s3, s7;
	s15 =	spop (v2sf)  }
0xb4: {  	[dreg:$0xb] =	wrdreg s5;
	s30 =	sand.u32 $0x1FFFFFF0, s30;
	s19 =	spop (v2sf)  }
0xb5: {  	s9 =	sand.u32 $0x1FFFFFF0, s11;
	s11 =	sshrl.u32 s22, $0x3;
	s5 =	spop (v2sf)  }
0xb6: {  	s21 =	sand.u32 $0x1FFFFFF0, s14;
	s7 =	sand.u32 $0x1FFFFFF0, s15;
	s22 =	sand.u32 $0x1FFFFFF0, s5  }
0xb7: {  	s14 =	sand.u32 $0x1FFFFFF0, s19;
	s15 =	spop (v2sf);
	s22 =	sadd.s32 s3, s22  }
0xb8: {  	s19 =	sand.u32 $0x1FFFFFF0, s15;
	s5 =	spop (v2sf);
	s15 =	rddreg [dreg:$0x1e]  }
0xb9: {  	[spmem:s15], [sflag:s10] =	dma.local [hbm:s22], $0x10  }
0xba: {  	[tilespmem:s1], [sflag:$0x1] =	stream.linear.gather [hbm4b:s13+s24], $0x80, $0x38;
	[tilespmem:$0xA200] =	vst v63  }
0xbb: {  	s21 =	sadd.s32 s3, s21;
	s22 =	sadd.s32 s3, s30;
	(v2sf) =	vpush v1, $0x8;
	s13 =	sadd.s32 s3, s14  }
0xbc: {  	[spmem:s23], [sflag:s10] =	dma.local [hbm:s21], $0x10  }
0xbd: {  	s14 =	sadd.s32 s3, s19;
	s19 =	sadd.s32 s3, s29;
	s30 =	sld [smem:$0x7F3]  }
0xbe: {  	s29 =	smov.u32 s8;
	s23 =	rddreg [dreg:$0x1d];
	s21 =	spop (v2sf)  }
0xbf: {  	[tilespmem:s28], [sflag:$0x1] =	stream.linear.gather [hbm4b:s31+s24], $0x80, $0x38;
	[tilespmem:$0xA200] =	vst v63  }
0xc0: {  	s31 =	rddreg [dreg:$0x18];
	(v2sf) =	vpush v1, $0xE;
	s21 =	sand.u32 $0x1FFFFFF0, s21;
	s8 =	spop (v2sf)  }
0xc1: {  	[spmem:s0], [sflag:s10] =	dma.local [hbm:s22], $0x10  }
0xc2: {  	s20 =	sadd.s32 s3, s20;
	s28 =	sadd.s32 s3, s21;
	s21 =	rddreg [dreg:$0x16]  }
0xc3: {  	(v2sf) =	vpush v0, $0xB;
	[tilespmem:s21], [sflag:$0x1] =	stream.linear.gather [hbm4b:s20+s24], $0x80, $0x38;
	[tilespmem:$0xA200] =	vst v63  }
0xc4: {  	[spmem:s11], [sflag:s10] =	dma.local [hbm:s13], $0x10  }
0xc5: {  	s5 =	sand.u32 $0x1FFFFFF0, s5;
	s11 =	sld [smem:$0x7F4]  }
0xc6: {  	s15 =	sshrl.u32 s23, $0x3;
	s23 =	sand.u32 $0x1FFFFFF0, s2;
	s2 =	rddreg [dreg:$0x15]  }
0xc7: {  	s0 =	sadd.s32 s3, s5;
	s5 =	sld [smem:$0x7F5]  }
0xc8: {  	[tilespmem:s2], [sflag:$0x1] =	stream.linear.gather [hbm4b:s6+s24], $0x80, $0x38;
	[tilespmem:$0xA200] =	vst v63  }
0xc9: {  	(v2sf) =	vpush v0, $0xD;
	s6 =	rddreg [dreg:$0x6]  }
0xca: {  	[spmem:s5], [sflag:s10] =	dma.local [hbm:s14], $0x10  }
0xcb: {  	s1 =	rddreg [dreg:$0x14]  }
0xcc: {  	s13 =	smov.u32 s26;
	s14 =	rddreg [dreg:$0x1b]  }
0xcd: {  	[tilespmem:s1], [sflag:$0x1] =	stream.linear.gather [hbm4b:s19+s24], $0x80, $0x38;
	[tilespmem:$0xA200] =	vst v63  }
0xce: {  	(v2sf) =	vpush v1, $0xF;
	s19 =	smov.u32 s25;
	s25 =	rddreg [dreg:$0x1a];
	s26 =	spop (v2sf)  }
0xcf: {  	[spmem:s14], [sflag:s10] =	dma.local [hbm:s0], $0x10  }
0xd0: {  	s4 =	sand.u32 $0x1FFFFFF0, s4;
	s0 =	rddreg [dreg:$0x13]  }
0xd1: {  	s22 =	sand.u32 $0x1FFFFFF0, s8;
	s8 =	sadd.s32 s3, s4;
	s4 =	rddreg [dreg:$0x1f]  }
0xd2: {  	s20 =	rddreg [dreg:$0x19]  }
0xd3: {  	[tilespmem:s0], [sflag:$0x1] =	stream.linear.gather [hbm4b:s4+s24], $0x80, $0x38;
	[tilespmem:$0xA200] =	vst v63  }
0xd4: {  	[spmem:s20], [sflag:s10] =	dma.local [hbm:s8], $0x10  }
.Ltmp0:
0xd5: {  	_ = 	snop;
	(pc) =	sbr.rel @p0 .LBB2_2-.Ltmp0, $4  }
0xd6: {  	s21 =	sld [smem:$0x7F6]  }
0xd7: {  	s17 =	sadd.s32 $0x600, s18;
	s12 =	sand.u32 $0x1FFFFFF0, s12;
	s1 =	rddreg [dreg:$0x1c]  }
0xd8: {  	s12 =	sadd.s32 s3, s12;
	s2 =	sadd.s32 s3, s7;
	s0 =	rddreg [dreg:$0x12]  }
0xd9: {  	[tilespmem:s0], [sflag:$0x1] =	stream.linear.gather [hbm4b:s21+s24], $0x80, $0x38;
	[tilespmem:$0xA200] =	vst v63  }
0xda: {  	s0 =	spop (v2sf);
	s7 =	simm.s32 $0x0  }
0xdb: {  	[spmem:s1], [sflag:s10] =	dma.local [hbm:s2], $0x10  }
0xdc: {  	[tilespmem:s17], [sflag:$0x1] =	stream.linear.gather [hbm4b:s28+s7], $0x80, $0x38;
	[tilespmem:$0xA200] =	vst v63  }
0xdd: {  	s19 =	sand.u32 $0x1FFFFFF0, s26;
	s2 =	spop (v2sf)  }
0xde: {  	s1 =	sadd.s32 s3, s19;
	s5 =	rddreg [dreg:$0x11];
	s4 =	spop (v2sf)  }
0xdf: {  	[spmem:s5], [sflag:s10] =	dma.local [hbm:s1], $0x10  }
0xe0: {  	s1 =	rddreg [dreg:$0xe]  }
0xe1: {  	s20 =	sadd.s32 s3, s9;
	s5 =	spop (v2sf);
	s6 =	rddreg [dreg:$0x10]  }
0xe2: {  	[tilespmem:s1], [sflag:$0x1] =	stream.linear.gather [hbm4b:s12+s7], $0x80, $0x38;
	[tilespmem:$0xA200] =	vst v63  }
0xe3: {  	[spmem:s6], [sflag:s10] =	dma.local [hbm:s20], $0x10  }
0xe4: {  	s1 =	rddreg [dreg:$0x17]  }
0xe5: {  	s6 =	rddreg [dreg:$0x5]  }
0xe6: {  	s21 =	rddreg [dreg:$0xf];
	s1 =	sadd.s32 s3, s1  }
0xe7: {  	[tilespmem:s6], [sflag:$0x1] =	stream.linear.gather [hbm4b:s1+s7], $0x80, $0x38;
	[tilespmem:$0xA200] =	vst v63  }
0xe8: {  	s24 =	sadd.s32 s3, s22;
	s1 =	sshrl.u32 s21, $0x3  }
0xe9: {  	[spmem:s1], [sflag:s10] =	dma.local [hbm:s24], $0x10  }
0xea: {  	s26 =	sand.u32 $0x1FFFFFF0, s2;
	s28 =	rddreg [dreg:$0x8]  }
0xeb: {  	s1 =	sadd.s32 s3, s26;
	s2 =	rddreg [dreg:$0xb]  }
0xec: {  	[tilespmem:s28], [sflag:$0x1] =	stream.linear.gather [hbm4b:s1+s7], $0x80, $0x38;
	[tilespmem:$0xA200] =	vst v63  }
0xed: {  	s6 =	rddreg [dreg:$0xd];
	s1 =	sand.u32 $0x1FFFFFF0, s2  }
0xee: {  	s8 =	sadd.s32 s3, s16;
	s2 =	sshrl.u32 s6, $0x3;
	s1 =	sadd.s32 s3, s1  }
0xef: {  	[spmem:s2], [sflag:s10] =	dma.local [hbm:s1], $0x10  }
0xf0: {  	[tilespmem:s31], [sflag:$0x1] =	stream.linear.gather [hbm4b:s8+s7], $0x80, $0x38;
	[tilespmem:$0xA200] =	vst v63  }
0xf1: {  	s9 =	rddreg [dreg:$0x9]  }
0xf2: {  	s1 =	sand.u32 $0x1FFFFFF0, s9  }
0xf3: {  	s13 =	sadd.s32 s3, s23;
	s2 =	rddreg [dreg:$0x7];
	s1 =	sadd.s32 s3, s1  }
0xf4: {  	[spmem:s2], [sflag:s10] =	dma.local [hbm:s1], $0x10  }
0xf5: {  	s16 =	sadd.s32 s3, s11;
	s12 =	sand.u32 $0x1FFFFFF0, s4;
	s2 =	rddreg [dreg:$0xc]  }
0xf6: {  	s0 =	sand.u32 $0x1FFFFFF0, s0;
	s1 =	sadd.s32 s3, s12;
	s14 =	rddreg [dreg:$0x4]  }
0xf7: {  	[tilespmem:s2], [sflag:$0x1] =	stream.linear.gather [hbm4b:s1+s7], $0x80, $0x38;
	[tilespmem:$0xA200] =	vst v63  }
0xf8: {  	[spmem:s14], [sflag:s10] =	dma.local [hbm:s13], $0x10  }
0xf9: {  	s0 =	sadd.s32 s3, s0;
	s17 =	sand.u32 $0x1FFFFFF0, s30;
	s2 =	rddreg [dreg:$0xa]  }
0xfa: {  	[tilespmem:s2], [sflag:$0x1] =	stream.linear.gather [hbm4b:s16+s7], $0x80, $0x38;
	[tilespmem:$0xA200] =	vst v63  }
0xfb: {  	[spmem:s15], [sflag:s10] =	dma.local [hbm:s0], $0x10  }
0xfc: {  	s18 =	sadd.s32 $0x980, s18;
	s19 =	sand.u32 $0x1FFFFFF0, s5;
	s0 =	sadd.s32 s3, s17  }
0xfd: {  	[tilespmem:s18], [sflag:$0x1] =	stream.linear.gather [hbm4b:s0+s7], $0x80, $0x38;
	[tilespmem:$0xA200] =	vst v63  }
0xfe: {  	s20 =	sshrl.u32 s25, $0x3;
	s21 =	simm.s32 $0x1;
	s0 =	sadd.s32 s3, s19  }
0xff: {  	[spmem:s20], [sflag:s10] =	dma.local [hbm:s0], $0x10  }
0x100: {  	_ =	swait.ge [sflag:s21], $0x8000  }
0x101: {  	[sflag:s21] =	ssyncset.done $0x0  }
0x102: {  	s22 =	simm.s32 $0x2;
	[sflag:s21] =	ssyncadd.s32 $0xFFFF8000  }
0x103: {  	_ =	swait.ge [sflag:s22], $0x1000  }
0x104: {  	s23 =	sld [smem:$0x7F9]  }
0x105: {  	[sflag:s22] =	ssyncset.done $0x0  }
0x106: {  	s24 =	simm.s32 $0x200;
	s1 =	simm.s32 $0x3;
	[sflag:s22] =	ssyncadd.s32 $0xFFFFF000  }
0x107: {  	[hbm4b:s23+s7] =	stream.linear.scatter [tilespmem:s24], [sflag:$0x3], $0x8000, $0x38;
	[tilespmem:$0xA200] =	vst v63  }
0x108: {  	_ =	swait.ge [sflag:s1], $0x8000  }
0x109: {  	s25 =	sld [smem:$0x7FA]  }
0x10a: {  	s26 =	sld [smem:$0x7FC]  }
0x10b: {  	s28 =	sld [smem:$0x7FD]  }
0x10c: {  	[sflag:s1] =	ssyncset.done $0x0  }
0x10d: {  	[sflag:s1] =	ssyncadd.s32 $0xFFFF8000  }
0x10e: {  	[hbm:s25], [sflag:s26] =	dma.local [spmem:s28], $0x1000  }
0x10f: {  	_ =	swait.ge [sflag:s1], $0x1000  }
0x110: {  	s30 =	sld [smem:$0x7F7]  }
0x111: {  	s31 =	sld [smem:$0x7FB];
	_ =	sdelay $0x1  }
0x112: {  	s2 =	sadd.s32 $0x1, s30  }
0x113: {  	p0 =	sne.s32 s2, s31  }
.Ltmp1:
0x114: {  	_ = 	snop;
	(pc) =	sbr.rel @p0 .LBB2_1-.Ltmp1, $3  }
0x115: {  	_ =	sdelay $0x1  }
0x116: {  	[sflag:s1] =	ssyncset.done $0x0  }
0x117: {  	[sflag:s1] =	ssyncadd.s32 $0xFFFFF000  }
0x118: {  	_ =	sfence.sel $0x180000  }
0x119: {  	[bflag:$0x0] =	sbarrier.arrive $0xFFFF  }
0x11a: {  	_ =	strace $0x90000047  }
0x11b: {  	s0 =	stileid.u32;
	[bflag:$0x2] =	sbarrier.arrive $0xFFFF  }
0x11c: {  	p0 =	sne.s32 s0, $0x0;
	s0 =	rddreg [dreg:$0x3]  }
0x11d: {  	s0 =	sadd.s32 @!p0 $0x100000, s0  }
0x11e: {  	[sflag:s0] =	ssyncadd.tile.s32 @!p0 $0x1;
	_ =	shalt  }
.Lfunc_end2:
_tile_overlayer_lowered:
.L_overlay_start_2:
0x11f: {  	(tag) =	ssettag $0x2  }
0x120: {  	s0 =	rddreg [dreg:$0x0];
	s2 =	stileid.u32  }
0x121: {  	s1 =	rddreg [dreg:$0x1];
	p0 =	sne.s32 s2, $0x0  }
0x122: {  	s3 =	rddreg [dreg:$0x2];
	[bflag:$0x3] =	sbarrier.arrive $0xFFFF;
	s2 =	simm.s32 @!p0 $0x1C03  }
0x123: {  	[timem:s3], [sflag:s2] =	dma.local @!p0 [hbm:s0], s1  }
0x124: {  	s0 =	simm.s32 @!p0 $0x3  }
0x125: {  	_ =	swait.ge @!p0 [sflag:s0], s1  }
0x126: {  	s1 =	ssub.s32 @!p0 $0x0, s1;
	[sflag:s0] =	ssyncset.done @!p0 $0x0  }
0x127: {  	[sflag:s0] =	ssyncadd.s32 @!p0 s1  }
0x128: {  	[bflag:$0x3] =	sbarrier.arrive $0xFFFF  }
0x129: {  	_ =	shalt  }

</sc_bundles>
